<compile_context>
chip_gen: v7x
topology: tpu7x:2x2x1
jax: 0.10.2.dev20260603
libtpu: 0.0.44.dev20260713+nightly
codegen_flags: <defaults>
</compile_context>

<pallas_src>
import functools

import jax
import jax.numpy as jnp
from jax import lax
from jax.experimental import pallas as pl
from jax.experimental.pallas import tpu as pltpu
from jax.experimental.pallas import tpu_sc as plsc

_NC = 2
_NS = 16
_NW = _NC * _NS


@functools.partial(jax.jit, static_argnames=("n_t", "n_b", "n_dr", "n_vt"))
def _sc_embed(w4, idx_t, *, n_t, n_b, n_dr, n_vt):
    mesh = plsc.VectorSubcoreMesh(core_axis_name="c", subcore_axis_name="s")
    n_br = n_b // 128
    d_per_w = (n_dr * 8) // _NW

    @functools.partial(
        pl.kernel,
        mesh=mesh,
        compiler_params=pltpu.CompilerParams(
            use_tc_tiling_on_sc=False, needs_layout_passes=False
        ),
        out_type=jax.ShapeDtypeStruct((n_t, n_dr, n_br, 8, 128), jnp.float32),
        scratch_types=[
            pltpu.VMEM((n_vt, 128), jnp.float32),
            pltpu.VMEM((2, n_b), jnp.int32),
            pltpu.VMEM((2, n_br, 128), jnp.float32),
            pltpu.VMEM_SHARED((n_t, n_b), jnp.int32),
            pltpu.SemaphoreType.DMA,
            pltpu.SemaphoreType.DMA((2,)),
            pltpu.SemaphoreType.DMA((2,)),
        ],
    )
    def run(w_hbm, idx_hbm, out_hbm, wcol_v, idx_v, out_v, idx_s, wsem, isem, osem):
        wid = lax.axis_index("s") * _NC + lax.axis_index("c")

        @pl.when(lax.axis_index("s") == 0)
        def _():
            pltpu.sync_copy(idx_hbm, idx_s)

        plsc.subcore_barrier()

        for p in range(d_per_w):
            d = wid * d_per_w + p
            dr = d // 8
            dsub = d % 8

            def wcol_src():
                return w_hbm.at[dr, :, dsub, :]

            pltpu.async_copy(wcol_src(), wcol_v, wsem)

            def idx_start(t, b):
                pltpu.async_copy(idx_s.at[t], idx_v.at[b], isem.at[b])

            def idx_wait(t, b):
                pltpu.make_async_copy(
                    idx_s.at[t], idx_v.at[b], isem.at[b]
                ).wait()

            def out_dst(t):
                return out_hbm.at[t, dr, :, dsub, :]

            def out_start(t, b):
                pltpu.async_copy(out_v.at[b], out_dst(t), osem.at[b])

            def out_wait(t, b):
                pltpu.make_async_copy(out_v.at[b], out_dst(t), osem.at[b]).wait()

            idx_start(0, 0)
            idx_start(1, 1)
            pltpu.make_async_copy(wcol_src(), wcol_v, wsem).wait()

            def token_work(t, b):
                idx_wait(t, b)

                @pl.when(t >= 2)
                def _():
                    out_wait(t - 2, b)

                @plsc.parallel_loop(0, n_b // 16, unroll=8)
                def _gather16(v):
                    vec = idx_v[b, pl.ds(v * 16, 16)]
                    vals = plsc.load_gather(
                        wcol_v, [lax.shift_right_logical(vec, 7), vec & 127]
                    )
                    out_v[b, v // 8, pl.ds((v % 8) * 16, 16)] = vals

                out_start(t, b)

            def token(t, carry):
                b = t % 2
                token_work(t, b)
                idx_start(t + 2, b)
                return carry

            lax.fori_loop(0, n_t - 2, token, 0)
            token_work(n_t - 2, (n_t - 2) % 2)
            token_work(n_t - 1, (n_t - 1) % 2)
            out_wait(n_t - 2, n_t % 2)
            out_wait(n_t - 1, (n_t - 1) % 2)

    return run(w4, idx_t)


def kernel(input_ids, weight):
    n_b, n_t = input_ids.shape
    n_v, n_d = weight.shape
    idx_t = input_ids.T.astype(jnp.int32)
    n_vt = (n_v + 127) // 128
    wp = jnp.pad(weight, ((0, n_vt * 128 - n_v), (0, 0)))
    n_dr = n_d // 8
    w4 = wp.T.reshape(n_dr, 8, n_vt, 128).transpose(0, 2, 1, 3)
    out5 = _sc_embed(w4, idx_t, n_t=n_t, n_b=n_b, n_dr=n_dr, n_vt=n_vt)
    return out5.transpose(2, 4, 0, 1, 3).reshape(n_b, n_t, n_d)

# --- scband reference (transcript-rebuilt; emitter-appended) ---
"""Pipeline reference for scband-audio-embed-positions-30374008717975 (READ-ONLY COPY).

The authoritative reference and input builder live on the scoring server;
editing this copy changes nothing except your own understanding.
"""

import jax, jax.numpy as jnp
import numpy as np


def setup_inputs(seed: int = 0) -> dict:
    key = jax.random.key(seed)
    k1, k2 = jax.random.split(key)
    input_ids = jax.random.randint(k1, (4096, 50), 0, 100000, dtype=jnp.int64 if jax.config.jax_enable_x64 else jnp.int32)
    weight = jax.random.normal(k2, (100000, 64), dtype=jnp.float32)
    return {"input_ids": input_ids, "weight": weight}


def reference(input_ids, weight):
    # nn.functional.embedding(input_ids, weight) == gather rows of weight
    return jnp.take(weight, input_ids, axis=0)

if __name__ == "__main__":
    import jax
    _d = setup_inputs()
    print(jax.jit(kernel)(*tuple(_d.values())))

</pallas_src>

<mosaic_0001>
#map = affine_map<(d0, d1) -> (0, 0, 0, 0)>
#map1 = affine_map<(d0, d1) -> (0, 0)>
#map2 = affine_map<(d0, d1) -> (0, 0, 0, 0, 0)>
module attributes {stable_mosaic.version = 14 : i64} {
  func.func @run(%arg0: i32, %arg1: i32, %arg2: memref<8x782x8x128xf32, #tpu.memory_space<hbm>>, %arg3: memref<50x4096xi32, #tpu.memory_space<hbm>>, %arg4: memref<50x8x32x8x128xf32, #tpu.memory_space<hbm>>, %arg5: memref<782x128xf32, #tpu.memory_space<vmem>>, %arg6: memref<2x4096xi32, #tpu.memory_space<vmem>>, %arg7: memref<2x32x128xf32, #tpu.memory_space<vmem>>, %arg8: memref<50x4096xi32, #tpu.memory_space<vmem_shared>>, %arg9: memref<!tpu.dma_semaphore, #tpu.memory_space<semaphore_mem>>, %arg10: memref<2x!tpu.dma_semaphore, #tpu.memory_space<semaphore_mem>>, %arg11: memref<2x!tpu.dma_semaphore, #tpu.memory_space<semaphore_mem>>) attributes {dimension_semantics = [#tpu.dimension_semantics<core_parallel>, #tpu.dimension_semantics<subcore_parallel>], iteration_bounds = array<i64: 2, 16>, scalar_prefetch = 0 : i64, scratch_operands = 7 : i64, tpu.core_type = #tpu.core_type<sc_vector_subcore>, window_params = [{transform_indices = #map}, {transform_indices = #map1}, {transform_indices = #map2}]} {
    %mul3A = arith.constant 2 : i32
    %mul3A_0 = arith.muli %arg1, %mul3A : i32
    %add3A = arith.addi %mul3A_0, %arg0 : i32
    %eq3A = arith.constant 0 : i32
    %eq3A_1 = arith.cmpi eq, %arg1, %eq3A : i32
    %convert_element_type3A = arith.extui %eq3A_1 : i1 to i32
    %cond3A = arith.constant 0 : i32
    %cond3A_2 = arith.cmpi ne, %convert_element_type3A, %cond3A : i32
    scf.if %cond3A_2 {
      "tpu.region"() ({
        %run_scoped3A = tpu.sem_alloc : memref<!tpu.dma_semaphore, #tpu.memory_space<semaphore_mem>>
        tpu.enqueue_dma source(%arg3 : memref<50x4096xi32, #tpu.memory_space<hbm>>) target(%arg8 : memref<50x4096xi32, #tpu.memory_space<vmem_shared>>) target_semaphore(%run_scoped3A : memref<!tpu.dma_semaphore, #tpu.memory_space<semaphore_mem>>)
        tpu.wait_dma2 semaphore(%run_scoped3A : memref<!tpu.dma_semaphore, #tpu.memory_space<semaphore_mem>>) src(%arg3 : memref<50x4096xi32, #tpu.memory_space<hbm>>) dst(%arg8 : memref<50x4096xi32, #tpu.memory_space<vmem_shared>>)
        tpu.yield
      }) : () -> ()
    } else {
    }
    %barrier3A = arith.constant 0 : index
    tpu.barrier barrier_id(%barrier3A)
    %mul3A_3 = arith.constant 2 : i32
    %mul3A_4 = arith.muli %add3A, %mul3A_3 : i32
    %add3A_5 = arith.constant 0 : i32
    %add3A_6 = arith.addi %mul3A_4, %add3A_5 : i32
    %jit3A = arith.constant 8 : i32
    %div3A = arith.divsi %add3A_6, %jit3A : i32
    %sign3A = arith.constant 0 : i32
    %sign3A_7 = arith.cmpi sgt, %add3A_6, %sign3A : i32
    %sign3A_8 = arith.extui %sign3A_7 : i1 to i32
    %sign3A_9 = arith.constant 0 : i32
    %sign3A_10 = arith.cmpi slt, %add3A_6, %sign3A_9 : i32
    %sign3A_11 = arith.extui %sign3A_10 : i1 to i32
    %sign3A_12 = arith.subi %sign3A_8, %sign3A_11 : i32
    %sign3A_13 = arith.constant 0 : i32
    %sign3A_14 = arith.cmpi sgt, %jit3A, %sign3A_13 : i32
    %sign3A_15 = arith.extui %sign3A_14 : i1 to i32
    %sign3A_16 = arith.constant 0 : i32
    %sign3A_17 = arith.cmpi slt, %jit3A, %sign3A_16 : i32
    %sign3A_18 = arith.extui %sign3A_17 : i1 to i32
    %sign3A_19 = arith.subi %sign3A_15, %sign3A_18 : i32
    %ne3A = arith.cmpi ne, %sign3A_12, %sign3A_19 : i32
    %rem3A = arith.remsi %add3A_6, %jit3A : i32
    %ne3A_20 = arith.constant 0 : i32
    %ne3A_21 = arith.cmpi ne, %rem3A, %ne3A_20 : i32
    %and3A = arith.andi %ne3A, %ne3A_21 : i1
    %sub3A = arith.constant 1 : i32
    %sub3A_22 = arith.subi %div3A, %sub3A : i32
    %select_n3A = arith.select %and3A, %sub3A_22, %div3A : i32
    %jit3A_23 = arith.constant 8 : i32
    %eq3A_24 = arith.constant 0 : i32
    %eq3A_25 = arith.cmpi eq, %jit3A_23, %eq3A_24 : i32
    %jit3A_26 = arith.constant 1 : i32
    %select_n3A_27 = arith.select %eq3A_25, %jit3A_26, %jit3A_23 : i32
    %rem3A_28 = arith.remsi %add3A_6, %select_n3A_27 : i32
    %ne3A_29 = arith.constant 0 : i32
    %ne3A_30 = arith.cmpi ne, %rem3A_28, %ne3A_29 : i32
    %lt3A = arith.constant 0 : i32
    %lt3A_31 = arith.cmpi slt, %rem3A_28, %lt3A : i32
    %lt3A_32 = arith.constant 0 : i32
    %lt3A_33 = arith.cmpi slt, %select_n3A_27, %lt3A_32 : i32
    %ne3A_34 = arith.xori %lt3A_31, %lt3A_33 : i1
    %and3A_35 = arith.andi %ne3A_34, %ne3A_30 : i1
    %add3A_36 = arith.addi %rem3A_28, %select_n3A_27 : i32
    %select_n3A_37 = arith.select %and3A_35, %add3A_36, %rem3A_28 : i32
    %dma_start3A = arith.constant 0 : i32
    %dma_start3A_38 = arith.constant 0 : i32
    %dma_start3A_39 = tpu.memref_slice %arg2[%select_n3A, %dma_start3A, %select_n3A_37, %dma_start3A_38] : memref<8x782x8x128xf32, #tpu.memory_space<hbm>> -> memref<1x782x1x128xf32, #tpu.memory_space<hbm>>
    %dma_start3A_40 = tpu.memref_squeeze %dma_start3A_39 : memref<1x782x1x128xf32, #tpu.memory_space<hbm>> -> memref<782x128xf32, #tpu.memory_space<hbm>>
    %dma_start3A_41 = arith.constant 0 : i32
    %dma_start3A_42 = arith.constant 0 : i32
    %dma_start3A_43 = tpu.memref_slice %arg2[%select_n3A, %dma_start3A_41, %select_n3A_37, %dma_start3A_42] : memref<8x782x8x128xf32, #tpu.memory_space<hbm>> -> memref<1x782x1x128xf32, #tpu.memory_space<hbm>>
    %dma_start3A_44 = tpu.memref_squeeze %dma_start3A_43 : memref<1x782x1x128xf32, #tpu.memory_space<hbm>> -> memref<782x128xf32, #tpu.memory_space<hbm>>
    tpu.enqueue_dma source(%dma_start3A_44 : memref<782x128xf32, #tpu.memory_space<hbm>>) target(%arg5 : memref<782x128xf32, #tpu.memory_space<vmem>>) target_semaphore(%arg9 : memref<!tpu.dma_semaphore, #tpu.memory_space<semaphore_mem>>)
    %dma_start3A_45 = arith.constant 0 : i32
    %dma_start3A_46 = arith.constant 0 : i32
    %dma_start3A_47 = arith.constant 0 : i32
    %dma_start3A_48 = arith.constant 0 : i32
    %dma_start3A_49 = tpu.memref_slice %arg6[%dma_start3A_46, %dma_start3A_48] : memref<2x4096xi32, #tpu.memory_space<vmem>> -> memref<1x4096xi32, #tpu.memory_space<vmem>>
    %dma_start3A_50 = tpu.memref_squeeze %dma_start3A_49 : memref<1x4096xi32, #tpu.memory_space<vmem>> -> memref<4096xi32, #tpu.memory_space<vmem>>
    %dma_start3A_51 = arith.constant 0 : i32
    %dma_start3A_52 = tpu.memref_slice %arg8[%dma_start3A_45, %dma_start3A_51] : memref<50x4096xi32, #tpu.memory_space<vmem_shared>> -> memref<1x4096xi32, #tpu.memory_space<vmem_shared>>
    %dma_start3A_53 = tpu.memref_squeeze %dma_start3A_52 : memref<1x4096xi32, #tpu.memory_space<vmem_shared>> -> memref<4096xi32, #tpu.memory_space<vmem_shared>>
    %dma_start3A_54 = tpu.memref_slice %arg10[%dma_start3A_47] : memref<2x!tpu.dma_semaphore, #tpu.memory_space<semaphore_mem>> -> memref<1x!tpu.dma_semaphore, #tpu.memory_space<semaphore_mem>>
    %dma_start3A_55 = tpu.memref_squeeze %dma_start3A_54 : memref<1x!tpu.dma_semaphore, #tpu.memory_space<semaphore_mem>> -> memref<!tpu.dma_semaphore, #tpu.memory_space<semaphore_mem>>
    %dma_start3A_56 = arith.constant 0 : i32
    %dma_start3A_57 = tpu.memref_slice %arg6[%dma_start3A_46, %dma_start3A_56] : memref<2x4096xi32, #tpu.memory_space<vmem>> -> memref<1x4096xi32, #tpu.memory_space<vmem>>
    %dma_start3A_58 = tpu.memref_squeeze %dma_start3A_57 : memref<1x4096xi32, #tpu.memory_space<vmem>> -> memref<4096xi32, #tpu.memory_space<vmem>>
    %dma_start3A_59 = arith.constant 0 : i32
    %dma_start3A_60 = tpu.memref_slice %arg8[%dma_start3A_45, %dma_start3A_59] : memref<50x4096xi32, #tpu.memory_space<vmem_shared>> -> memref<1x4096xi32, #tpu.memory_space<vmem_shared>>
    %dma_start3A_61 = tpu.memref_squeeze %dma_start3A_60 : memref<1x4096xi32, #tpu.memory_space<vmem_shared>> -> memref<4096xi32, #tpu.memory_space<vmem_shared>>
    tpu.enqueue_dma source(%dma_start3A_61 : memref<4096xi32, #tpu.memory_space<vmem_shared>>) target(%dma_start3A_58 : memref<4096xi32, #tpu.memory_space<vmem>>) target_semaphore(%dma_start3A_55 : memref<!tpu.dma_semaphore, #tpu.memory_space<semaphore_mem>>)
    %dma_start3A_62 = arith.constant 1 : i32
    %dma_start3A_63 = arith.constant 1 : i32
    %dma_start3A_64 = arith.constant 1 : i32
    %dma_start3A_65 = arith.constant 0 : i32
    %dma_start3A_66 = tpu.memref_slice %arg6[%dma_start3A_63, %dma_start3A_65] : memref<2x4096xi32, #tpu.memory_space<vmem>> -> memref<1x4096xi32, #tpu.memory_space<vmem>>
    %dma_start3A_67 = tpu.memref_squeeze %dma_start3A_66 : memref<1x4096xi32, #tpu.memory_space<vmem>> -> memref<4096xi32, #tpu.memory_space<vmem>>
    %dma_start3A_68 = arith.constant 0 : i32
    %dma_start3A_69 = tpu.memref_slice %arg8[%dma_start3A_62, %dma_start3A_68] : memref<50x4096xi32, #tpu.memory_space<vmem_shared>> -> memref<1x4096xi32, #tpu.memory_space<vmem_shared>>
    %dma_start3A_70 = tpu.memref_squeeze %dma_start3A_69 : memref<1x4096xi32, #tpu.memory_space<vmem_shared>> -> memref<4096xi32, #tpu.memory_space<vmem_shared>>
    %dma_start3A_71 = tpu.memref_slice %arg10[%dma_start3A_64] : memref<2x!tpu.dma_semaphore, #tpu.memory_space<semaphore_mem>> -> memref<1x!tpu.dma_semaphore, #tpu.memory_space<semaphore_mem>>
    %dma_start3A_72 = tpu.memref_squeeze %dma_start3A_71 : memref<1x!tpu.dma_semaphore, #tpu.memory_space<semaphore_mem>> -> memref<!tpu.dma_semaphore, #tpu.memory_space<semaphore_mem>>
    %dma_start3A_73 = arith.constant 0 : i32
    %dma_start3A_74 = tpu.memref_slice %arg6[%dma_start3A_63, %dma_start3A_73] : memref<2x4096xi32, #tpu.memory_space<vmem>> -> memref<1x4096xi32, #tpu.memory_space<vmem>>
    %dma_start3A_75 = tpu.memref_squeeze %dma_start3A_74 : memref<1x4096xi32, #tpu.memory_space<vmem>> -> memref<4096xi32, #tpu.memory_space<vmem>>
    %dma_start3A_76 = arith.constant 0 : i32
    %dma_start3A_77 = tpu.memref_slice %arg8[%dma_start3A_62, %dma_start3A_76] : memref<50x4096xi32, #tpu.memory_space<vmem_shared>> -> memref<1x4096xi32, #tpu.memory_space<vmem_shared>>
    %dma_start3A_78 = tpu.memref_squeeze %dma_start3A_77 : memref<1x4096xi32, #tpu.memory_space<vmem_shared>> -> memref<4096xi32, #tpu.memory_space<vmem_shared>>
    tpu.enqueue_dma source(%dma_start3A_78 : memref<4096xi32, #tpu.memory_space<vmem_shared>>) target(%dma_start3A_75 : memref<4096xi32, #tpu.memory_space<vmem>>) target_semaphore(%dma_start3A_72 : memref<!tpu.dma_semaphore, #tpu.memory_space<semaphore_mem>>)
    %dma_wait3A = arith.constant 0 : i32
    %dma_wait3A_79 = arith.constant 0 : i32
    %dma_wait3A_80 = tpu.memref_slice %arg2[%select_n3A, %dma_wait3A, %select_n3A_37, %dma_wait3A_79] : memref<8x782x8x128xf32, #tpu.memory_space<hbm>> -> memref<1x782x1x128xf32, #tpu.memory_space<hbm>>
    %dma_wait3A_81 = tpu.memref_squeeze %dma_wait3A_80 : memref<1x782x1x128xf32, #tpu.memory_space<hbm>> -> memref<782x128xf32, #tpu.memory_space<hbm>>
    %dma_wait3A_82 = arith.constant 0 : i32
    %dma_wait3A_83 = arith.constant 0 : i32
    %dma_wait3A_84 = tpu.memref_slice %arg2[%select_n3A, %dma_wait3A_82, %select_n3A_37, %dma_wait3A_83] : memref<8x782x8x128xf32, #tpu.memory_space<hbm>> -> memref<1x782x1x128xf32, #tpu.memory_space<hbm>>
    %dma_wait3A_85 = tpu.memref_squeeze %dma_wait3A_84 : memref<1x782x1x128xf32, #tpu.memory_space<hbm>> -> memref<782x128xf32, #tpu.memory_space<hbm>>
    tpu.wait_dma2 semaphore(%arg9 : memref<!tpu.dma_semaphore, #tpu.memory_space<semaphore_mem>>) src(%dma_wait3A_85 : memref<782x128xf32, #tpu.memory_space<hbm>>) dst(%arg5 : memref<782x128xf32, #tpu.memory_space<vmem>>)
    %scan3A = arith.constant 0 : i32
    %scan3A_86 = arith.constant 0 : i32
    %scan3A_87 = arith.constant 48 : i32
    %scan3A_88 = arith.addi %scan3A_86, %scan3A_87 : i32
    %scan3A_89 = arith.constant 1 : i32
    scf.for %scan3A_522 = %scan3A_86 to %scan3A_88 step %scan3A_89  : i32 {
      %jit3A_523 = arith.constant 2 : i32
      %eq3A_524 = arith.constant 0 : i32
      %eq3A_525 = arith.cmpi eq, %jit3A_523, %eq3A_524 : i32
      %jit3A_526 = arith.constant 1 : i32
      %select_n3A_527 = arith.select %eq3A_525, %jit3A_526, %jit3A_523 : i32
      %rem3A_528 = arith.remsi %scan3A_522, %select_n3A_527 : i32
      %ne3A_529 = arith.constant 0 : i32
      %ne3A_530 = arith.cmpi ne, %rem3A_528, %ne3A_529 : i32
      %lt3A_531 = arith.constant 0 : i32
      %lt3A_532 = arith.cmpi slt, %rem3A_528, %lt3A_531 : i32
      %lt3A_533 = arith.constant 0 : i32
      %lt3A_534 = arith.cmpi slt, %select_n3A_527, %lt3A_533 : i32
      %ne3A_535 = arith.xori %lt3A_532, %lt3A_534 : i1
      %and3A_536 = arith.andi %ne3A_535, %ne3A_530 : i1
      %add3A_537 = arith.addi %rem3A_528, %select_n3A_527 : i32
      %select_n3A_538 = arith.select %and3A_536, %add3A_537, %rem3A_528 : i32
      %dma_wait3A_539 = arith.constant 0 : i32
      %dma_wait3A_540 = tpu.memref_slice %arg6[%select_n3A_538, %dma_wait3A_539] : memref<2x4096xi32, #tpu.memory_space<vmem>> -> memref<1x4096xi32, #tpu.memory_space<vmem>>
      %dma_wait3A_541 = tpu.memref_squeeze %dma_wait3A_540 : memref<1x4096xi32, #tpu.memory_space<vmem>> -> memref<4096xi32, #tpu.memory_space<vmem>>
      %dma_wait3A_542 = arith.constant 0 : i32
      %dma_wait3A_543 = tpu.memref_slice %arg8[%scan3A_522, %dma_wait3A_542] : memref<50x4096xi32, #tpu.memory_space<vmem_shared>> -> memref<1x4096xi32, #tpu.memory_space<vmem_shared>>
      %dma_wait3A_544 = tpu.memref_squeeze %dma_wait3A_543 : memref<1x4096xi32, #tpu.memory_space<vmem_shared>> -> memref<4096xi32, #tpu.memory_space<vmem_shared>>
      %dma_wait3A_545 = tpu.memref_slice %arg10[%select_n3A_538] : memref<2x!tpu.dma_semaphore, #tpu.memory_space<semaphore_mem>> -> memref<1x!tpu.dma_semaphore, #tpu.memory_space<semaphore_mem>>
      %dma_wait3A_546 = tpu.memref_squeeze %dma_wait3A_545 : memref<1x!tpu.dma_semaphore, #tpu.memory_space<semaphore_mem>> -> memref<!tpu.dma_semaphore, #tpu.memory_space<semaphore_mem>>
      %dma_wait3A_547 = arith.constant 0 : i32
      %dma_wait3A_548 = tpu.memref_slice %arg6[%select_n3A_538, %dma_wait3A_547] : memref<2x4096xi32, #tpu.memory_space<vmem>> -> memref<1x4096xi32, #tpu.memory_space<vmem>>
      %dma_wait3A_549 = tpu.memref_squeeze %dma_wait3A_548 : memref<1x4096xi32, #tpu.memory_space<vmem>> -> memref<4096xi32, #tpu.memory_space<vmem>>
      %dma_wait3A_550 = arith.constant 0 : i32
      %dma_wait3A_551 = tpu.memref_slice %arg8[%scan3A_522, %dma_wait3A_550] : memref<50x4096xi32, #tpu.memory_space<vmem_shared>> -> memref<1x4096xi32, #tpu.memory_space<vmem_shared>>
      %dma_wait3A_552 = tpu.memref_squeeze %dma_wait3A_551 : memref<1x4096xi32, #tpu.memory_space<vmem_shared>> -> memref<4096xi32, #tpu.memory_space<vmem_shared>>
      tpu.wait_dma2 semaphore(%dma_wait3A_546 : memref<!tpu.dma_semaphore, #tpu.memory_space<semaphore_mem>>) src(%dma_wait3A_552 : memref<4096xi32, #tpu.memory_space<vmem_shared>>) dst(%dma_wait3A_549 : memref<4096xi32, #tpu.memory_space<vmem>>)
      %ge3A = arith.constant 2 : i32
      %ge3A_553 = arith.cmpi sge, %scan3A_522, %ge3A : i32
      %convert_element_type3A_554 = arith.extui %ge3A_553 : i1 to i32
      %cond3A_555 = arith.constant 0 : i32
      %cond3A_556 = arith.cmpi ne, %convert_element_type3A_554, %cond3A_555 : i32
      scf.if %cond3A_556 {
        %sub3A_594 = arith.constant 2 : i32
        %sub3A_595 = arith.subi %scan3A_522, %sub3A_594 : i32
        %dma_wait3A_596 = arith.constant 0 : i32
        %dma_wait3A_597 = arith.constant 0 : i32
        %dma_wait3A_598 = tpu.memref_slice %arg7[%select_n3A_538, %dma_wait3A_596, %dma_wait3A_597] : memref<2x32x128xf32, #tpu.memory_space<vmem>> -> memref<1x32x128xf32, #tpu.memory_space<vmem>>
        %dma_wait3A_599 = tpu.memref_squeeze %dma_wait3A_598 : memref<1x32x128xf32, #tpu.memory_space<vmem>> -> memref<32x128xf32, #tpu.memory_space<vmem>>
        %dma_wait3A_600 = arith.constant 0 : i32
        %dma_wait3A_601 = arith.constant 0 : i32
        %dma_wait3A_602 = tpu.memref_slice %arg4[%sub3A_595, %select_n3A, %dma_wait3A_600, %select_n3A_37, %dma_wait3A_601] : memref<50x8x32x8x128xf32, #tpu.memory_space<hbm>> -> memref<1x1x32x1x128xf32, #tpu.memory_space<hbm>>
        %dma_wait3A_603 = tpu.memref_squeeze %dma_wait3A_602 : memref<1x1x32x1x128xf32, #tpu.memory_space<hbm>> -> memref<32x128xf32, #tpu.memory_space<hbm>>
        %dma_wait3A_604 = tpu.memref_slice %arg11[%select_n3A_538] : memref<2x!tpu.dma_semaphore, #tpu.memory_space<semaphore_mem>> -> memref<1x!tpu.dma_semaphore, #tpu.memory_space<semaphore_mem>>
        %dma_wait3A_605 = tpu.memref_squeeze %dma_wait3A_604 : memref<1x!tpu.dma_semaphore, #tpu.memory_space<semaphore_mem>> -> memref<!tpu.dma_semaphore, #tpu.memory_space<semaphore_mem>>
        %dma_wait3A_606 = arith.constant 0 : i32
        %dma_wait3A_607 = arith.constant 0 : i32
        %dma_wait3A_608 = tpu.memref_slice %arg4[%sub3A_595, %select_n3A, %dma_wait3A_606, %select_n3A_37, %dma_wait3A_607] : memref<50x8x32x8x128xf32, #tpu.memory_space<hbm>> -> memref<1x1x32x1x128xf32, #tpu.memory_space<hbm>>
        %dma_wait3A_609 = tpu.memref_squeeze %dma_wait3A_608 : memref<1x1x32x1x128xf32, #tpu.memory_space<hbm>> -> memref<32x128xf32, #tpu.memory_space<hbm>>
        %dma_wait3A_610 = arith.constant 0 : i32
        %dma_wait3A_611 = arith.constant 0 : i32
        %dma_wait3A_612 = tpu.memref_slice %arg7[%select_n3A_538, %dma_wait3A_610, %dma_wait3A_611] : memref<2x32x128xf32, #tpu.memory_space<vmem>> -> memref<1x32x128xf32, #tpu.memory_space<vmem>>
        %dma_wait3A_613 = tpu.memref_squeeze %dma_wait3A_612 : memref<1x32x128xf32, #tpu.memory_space<vmem>> -> memref<32x128xf32, #tpu.memory_space<vmem>>
        tpu.wait_dma2 semaphore(%dma_wait3A_605 : memref<!tpu.dma_semaphore, #tpu.memory_space<semaphore_mem>>) src(%dma_wait3A_613 : memref<32x128xf32, #tpu.memory_space<vmem>>) dst(%dma_wait3A_609 : memref<32x128xf32, #tpu.memory_space<hbm>>)
      } else {
      }
      %parallel_loop3A_557 = arith.constant 0 : i32
      %parallel_loop3A_558 = arith.constant 256 : i32
      %parallel_loop3A_559 = arith.constant 1 : i32
      scf.for %parallel_loop3A_594 = %parallel_loop3A_557 to %parallel_loop3A_558 step %parallel_loop3A_559  : i32 {
        %parallel_loop3A_595 = arith.constant 16 : i32
        %parallel_loop3A_596 = arith.muli %parallel_loop3A_594, %parallel_loop3A_595 : i32
        %parallel_loop3A_597 = arith.index_cast %select_n3A_538 : i32 to index
        %parallel_loop3A_598 = arith.index_cast %parallel_loop3A_596 : i32 to index
        %parallel_loop3A_599 = tpu.vector_load %arg6[%parallel_loop3A_597, %parallel_loop3A_598] {strides = array<i32>} : memref<2x4096xi32, #tpu.memory_space<vmem>>, vector<16xi32>,
        %parallel_loop3A_600 = arith.constant 7 : i32
        %parallel_loop3A_601 = vector.broadcast %parallel_loop3A_600 : i32 to vector<16xi32>
        %parallel_loop3A_602 = arith.shrui %parallel_loop3A_599, %parallel_loop3A_601 : vector<16xi32>
        %parallel_loop3A_603 = arith.constant 127 : i32
        %parallel_loop3A_604 = vector.broadcast %parallel_loop3A_603 : i32 to vector<16xi32>
        %parallel_loop3A_605 = arith.andi %parallel_loop3A_599, %parallel_loop3A_604 : vector<16xi32>
        %parallel_loop3A_606 = tpu.vector_load_idx %arg5[%parallel_loop3A_602, %parallel_loop3A_605] : memref<782x128xf32, #tpu.memory_space<vmem>>[vector<16xi32>, vector<16xi32>], vector<16xf32>,
        %parallel_loop3A_607 = arith.constant 8 : i32
        %parallel_loop3A_608 = arith.divsi %parallel_loop3A_594, %parallel_loop3A_607 : i32
        %parallel_loop3A_609 = arith.constant 0 : i32
        %parallel_loop3A_610 = arith.cmpi sgt, %parallel_loop3A_594, %parallel_loop3A_609 : i32
        %parallel_loop3A_611 = arith.extui %parallel_loop3A_610 : i1 to i32
        %parallel_loop3A_612 = arith.constant 0 : i32
        %parallel_loop3A_613 = arith.cmpi slt, %parallel_loop3A_594, %parallel_loop3A_612 : i32
        %parallel_loop3A_614 = arith.extui %parallel_loop3A_613 : i1 to i32
        %parallel_loop3A_615 = arith.subi %parallel_loop3A_611, %parallel_loop3A_614 : i32
        %parallel_loop3A_616 = arith.constant 0 : i32
        %parallel_loop3A_617 = arith.cmpi sgt, %parallel_loop3A_607, %parallel_loop3A_616 : i32
        %parallel_loop3A_618 = arith.extui %parallel_loop3A_617 : i1 to i32
        %parallel_loop3A_619 = arith.constant 0 : i32
        %parallel_loop3A_620 = arith.cmpi slt, %parallel_loop3A_607, %parallel_loop3A_619 : i32
        %parallel_loop3A_621 = arith.extui %parallel_loop3A_620 : i1 to i32
        %parallel_loop3A_622 = arith.subi %parallel_loop3A_618, %parallel_loop3A_621 : i32
        %parallel_loop3A_623 = arith.cmpi ne, %parallel_loop3A_615, %parallel_loop3A_622 : i32
        %parallel_loop3A_624 = arith.remsi %parallel_loop3A_594, %parallel_loop3A_607 : i32
        %parallel_loop3A_625 = arith.constant 0 : i32
        %parallel_loop3A_626 = arith.cmpi ne, %parallel_loop3A_624, %parallel_loop3A_625 : i32
        %parallel_loop3A_627 = arith.andi %parallel_loop3A_623, %parallel_loop3A_626 : i1
        %parallel_loop3A_628 = arith.constant 1 : i32
        %parallel_loop3A_629 = arith.subi %parallel_loop3A_608, %parallel_loop3A_628 : i32
        %parallel_loop3A_630 = arith.select %parallel_loop3A_627, %parallel_loop3A_629, %parallel_loop3A_608 : i32
        %parallel_loop3A_631 = arith.constant 8 : i32
        %parallel_loop3A_632 = arith.constant 0 : i32
        %parallel_loop3A_633 = arith.cmpi eq, %parallel_loop3A_631, %parallel_loop3A_632 : i32
        %parallel_loop3A_634 = arith.constant 1 : i32
        %parallel_loop3A_635 = arith.select %parallel_loop3A_633, %parallel_loop3A_634, %parallel_loop3A_631 : i32
        %parallel_loop3A_636 = arith.remsi %parallel_loop3A_594, %parallel_loop3A_635 : i32
        %parallel_loop3A_637 = arith.constant 0 : i32
        %parallel_loop3A_638 = arith.cmpi ne, %parallel_loop3A_636, %parallel_loop3A_637 : i32
        %parallel_loop3A_639 = arith.constant 0 : i32
        %parallel_loop3A_640 = arith.cmpi slt, %parallel_loop3A_636, %parallel_loop3A_639 : i32
        %parallel_loop3A_641 = arith.constant 0 : i32
        %parallel_loop3A_642 = arith.cmpi slt, %parallel_loop3A_635, %parallel_loop3A_641 : i32
        %parallel_loop3A_643 = arith.xori %parallel_loop3A_640, %parallel_loop3A_642 : i1
        %parallel_loop3A_644 = arith.andi %parallel_loop3A_643, %parallel_loop3A_638 : i1
        %parallel_loop3A_645 = arith.addi %parallel_loop3A_636, %parallel_loop3A_635 : i32
        %parallel_loop3A_646 = arith.select %parallel_loop3A_644, %parallel_loop3A_645, %parallel_loop3A_636 : i32
        %parallel_loop3A_647 = arith.constant 16 : i32
        %parallel_loop3A_648 = arith.muli %parallel_loop3A_646, %parallel_loop3A_647 : i32
        %parallel_loop3A_649 = arith.index_cast %select_n3A_538 : i32 to index
        %parallel_loop3A_650 = arith.index_cast %parallel_loop3A_630 : i32 to index
        %parallel_loop3A_651 = arith.index_cast %parallel_loop3A_648 : i32 to index
        %parallel_loop3A_652 = tpu.vector_load %arg7[%parallel_loop3A_649, %parallel_loop3A_650, %parallel_loop3A_651] {strides = array<i32>} : memref<2x32x128xf32, #tpu.memory_space<vmem>>, vector<16xf32>,
        tpu.vector_store %arg7[%parallel_loop3A_649, %parallel_loop3A_650, %parallel_loop3A_651], %parallel_loop3A_606 {strides = array<i32>} : memref<2x32x128xf32, #tpu.memory_space<vmem>>, vector<16xf32>,
      } {sc.loop_unroll_factor = 8 : i64, sc.parallel_access}
      %dma_start3A_560 = arith.constant 0 : i32
      %dma_start3A_561 = arith.constant 0 : i32
      %dma_start3A_562 = tpu.memref_slice %arg7[%select_n3A_538, %dma_start3A_560, %dma_start3A_561] : memref<2x32x128xf32, #tpu.memory_space<vmem>> -> memref<1x32x128xf32, #tpu.memory_space<vmem>>
      %dma_start3A_563 = tpu.memref_squeeze %dma_start3A_562 : memref<1x32x128xf32, #tpu.memory_space<vmem>> -> memref<32x128xf32, #tpu.memory_space<vmem>>
      %dma_start3A_564 = arith.constant 0 : i32
      %dma_start3A_565 = arith.constant 0 : i32
      %dma_start3A_566 = tpu.memref_slice %arg4[%scan3A_522, %select_n3A, %dma_start3A_564, %select_n3A_37, %dma_start3A_565] : memref<50x8x32x8x128xf32, #tpu.memory_space<hbm>> -> memref<1x1x32x1x128xf32, #tpu.memory_space<hbm>>
      %dma_start3A_567 = tpu.memref_squeeze %dma_start3A_566 : memref<1x1x32x1x128xf32, #tpu.memory_space<hbm>> -> memref<32x128xf32, #tpu.memory_space<hbm>>
      %dma_start3A_568 = tpu.memref_slice %arg11[%select_n3A_538] : memref<2x!tpu.dma_semaphore, #tpu.memory_space<semaphore_mem>> -> memref<1x!tpu.dma_semaphore, #tpu.memory_space<semaphore_mem>>
      %dma_start3A_569 = tpu.memref_squeeze %dma_start3A_568 : memref<1x!tpu.dma_semaphore, #tpu.memory_space<semaphore_mem>> -> memref<!tpu.dma_semaphore, #tpu.memory_space<semaphore_mem>>
      %dma_start3A_570 = arith.constant 0 : i32
      %dma_start3A_571 = arith.constant 0 : i32
      %dma_start3A_572 = tpu.memref_slice %arg4[%scan3A_522, %select_n3A, %dma_start3A_570, %select_n3A_37, %dma_start3A_571] : memref<50x8x32x8x128xf32, #tpu.memory_space<hbm>> -> memref<1x1x32x1x128xf32, #tpu.memory_space<hbm>>
      %dma_start3A_573 = tpu.memref_squeeze %dma_start3A_572 : memref<1x1x32x1x128xf32, #tpu.memory_space<hbm>> -> memref<32x128xf32, #tpu.memory_space<hbm>>
      %dma_start3A_574 = arith.constant 0 : i32
      %dma_start3A_575 = arith.constant 0 : i32
      %dma_start3A_576 = tpu.memref_slice %arg7[%select_n3A_538, %dma_start3A_574, %dma_start3A_575] : memref<2x32x128xf32, #tpu.memory_space<vmem>> -> memref<1x32x128xf32, #tpu.memory_space<vmem>>
      %dma_start3A_577 = tpu.memref_squeeze %dma_start3A_576 : memref<1x32x128xf32, #tpu.memory_space<vmem>> -> memref<32x128xf32, #tpu.memory_space<vmem>>
      tpu.enqueue_dma source(%dma_start3A_577 : memref<32x128xf32, #tpu.memory_space<vmem>>) target(%dma_start3A_573 : memref<32x128xf32, #tpu.memory_space<hbm>>) target_semaphore(%dma_start3A_569 : memref<!tpu.dma_semaphore, #tpu.memory_space<semaphore_mem>>)
      %add3A_578 = arith.constant 2 : i32
      %add3A_579 = arith.addi %scan3A_522, %add3A_578 : i32
      %dma_start3A_580 = arith.constant 0 : i32
      %dma_start3A_581 = tpu.memref_slice %arg6[%select_n3A_538, %dma_start3A_580] : memref<2x4096xi32, #tpu.memory_space<vmem>> -> memref<1x4096xi32, #tpu.memory_space<vmem>>
      %dma_start3A_582 = tpu.memref_squeeze %dma_start3A_581 : memref<1x4096xi32, #tpu.memory_space<vmem>> -> memref<4096xi32, #tpu.memory_space<vmem>>
      %dma_start3A_583 = arith.constant 0 : i32
      %dma_start3A_584 = tpu.memref_slice %arg8[%add3A_579, %dma_start3A_583] : memref<50x4096xi32, #tpu.memory_space<vmem_shared>> -> memref<1x4096xi32, #tpu.memory_space<vmem_shared>>
      %dma_start3A_585 = tpu.memref_squeeze %dma_start3A_584 : memref<1x4096xi32, #tpu.memory_space<vmem_shared>> -> memref<4096xi32, #tpu.memory_space<vmem_shared>>
      %dma_start3A_586 = tpu.memref_slice %arg10[%select_n3A_538] : memref<2x!tpu.dma_semaphore, #tpu.memory_space<semaphore_mem>> -> memref<1x!tpu.dma_semaphore, #tpu.memory_space<semaphore_mem>>
      %dma_start3A_587 = tpu.memref_squeeze %dma_start3A_586 : memref<1x!tpu.dma_semaphore, #tpu.memory_space<semaphore_mem>> -> memref<!tpu.dma_semaphore, #tpu.memory_space<semaphore_mem>>
      %dma_start3A_588 = arith.constant 0 : i32
      %dma_start3A_589 = tpu.memref_slice %arg6[%select_n3A_538, %dma_start3A_588] : memref<2x4096xi32, #tpu.memory_space<vmem>> -> memref<1x4096xi32, #tpu.memory_space<vmem>>
      %dma_start3A_590 = tpu.memref_squeeze %dma_start3A_589 : memref<1x4096xi32, #tpu.memory_space<vmem>> -> memref<4096xi32, #tpu.memory_space<vmem>>
      %dma_start3A_591 = arith.constant 0 : i32
      %dma_start3A_592 = tpu.memref_slice %arg8[%add3A_579, %dma_start3A_591] : memref<50x4096xi32, #tpu.memory_space<vmem_shared>> -> memref<1x4096xi32, #tpu.memory_space<vmem_shared>>
      %dma_start3A_593 = tpu.memref_squeeze %dma_start3A_592 : memref<1x4096xi32, #tpu.memory_space<vmem_shared>> -> memref<4096xi32, #tpu.memory_space<vmem_shared>>
      tpu.enqueue_dma source(%dma_start3A_593 : memref<4096xi32, #tpu.memory_space<vmem_shared>>) target(%dma_start3A_590 : memref<4096xi32, #tpu.memory_space<vmem>>) target_semaphore(%dma_start3A_587 : memref<!tpu.dma_semaphore, #tpu.memory_space<semaphore_mem>>)
    }
    %scan3A_90 = arith.constant 48 : i32
    %dma_wait3A_91 = arith.constant 48 : i32
    %dma_wait3A_92 = arith.constant 0 : i32
    %dma_wait3A_93 = arith.constant 0 : i32
    %dma_wait3A_94 = arith.constant 0 : i32
    %dma_wait3A_95 = tpu.memref_slice %arg6[%dma_wait3A_92, %dma_wait3A_94] : memref<2x4096xi32, #tpu.memory_space<vmem>> -> memref<1x4096xi32, #tpu.memory_space<vmem>>
    %dma_wait3A_96 = tpu.memref_squeeze %dma_wait3A_95 : memref<1x4096xi32, #tpu.memory_space<vmem>> -> memref<4096xi32, #tpu.memory_space<vmem>>
    %dma_wait3A_97 = arith.constant 0 : i32
    %dma_wait3A_98 = tpu.memref_slice %arg8[%dma_wait3A_91, %dma_wait3A_97] : memref<50x4096xi32, #tpu.memory_space<vmem_shared>> -> memref<1x4096xi32, #tpu.memory_space<vmem_shared>>
    %dma_wait3A_99 = tpu.memref_squeeze %dma_wait3A_98 : memref<1x4096xi32, #tpu.memory_space<vmem_shared>> -> memref<4096xi32, #tpu.memory_space<vmem_shared>>
    %dma_wait3A_100 = tpu.memref_slice %arg10[%dma_wait3A_93] : memref<2x!tpu.dma_semaphore, #tpu.memory_space<semaphore_mem>> -> memref<1x!tpu.dma_semaphore, #tpu.memory_space<semaphore_mem>>
    %dma_wait3A_101 = tpu.memref_squeeze %dma_wait3A_100 : memref<1x!tpu.dma_semaphore, #tpu.memory_space<semaphore_mem>> -> memref<!tpu.dma_semaphore, #tpu.memory_space<semaphore_mem>>
    %dma_wait3A_102 = arith.constant 0 : i32
    %dma_wait3A_103 = tpu.memref_slice %arg6[%dma_wait3A_92, %dma_wait3A_102] : memref<2x4096xi32, #tpu.memory_space<vmem>> -> memref<1x4096xi32, #tpu.memory_space<vmem>>
    %dma_wait3A_104 = tpu.memref_squeeze %dma_wait3A_103 : memref<1x4096xi32, #tpu.memory_space<vmem>> -> memref<4096xi32, #tpu.memory_space<vmem>>
    %dma_wait3A_105 = arith.constant 0 : i32
    %dma_wait3A_106 = tpu.memref_slice %arg8[%dma_wait3A_91, %dma_wait3A_105] : memref<50x4096xi32, #tpu.memory_space<vmem_shared>> -> memref<1x4096xi32, #tpu.memory_space<vmem_shared>>
    %dma_wait3A_107 = tpu.memref_squeeze %dma_wait3A_106 : memref<1x4096xi32, #tpu.memory_space<vmem_shared>> -> memref<4096xi32, #tpu.memory_space<vmem_shared>>
    tpu.wait_dma2 semaphore(%dma_wait3A_101 : memref<!tpu.dma_semaphore, #tpu.memory_space<semaphore_mem>>) src(%dma_wait3A_107 : memref<4096xi32, #tpu.memory_space<vmem_shared>>) dst(%dma_wait3A_104 : memref<4096xi32, #tpu.memory_space<vmem>>)
    %dma_wait3A_108 = arith.constant 0 : i32
    %dma_wait3A_109 = arith.constant 46 : i32
    %dma_wait3A_110 = arith.constant 0 : i32
    %dma_wait3A_111 = arith.constant 0 : i32
    %dma_wait3A_112 = arith.constant 0 : i32
    %dma_wait3A_113 = tpu.memref_slice %arg7[%dma_wait3A_108, %dma_wait3A_111, %dma_wait3A_112] : memref<2x32x128xf32, #tpu.memory_space<vmem>> -> memref<1x32x128xf32, #tpu.memory_space<vmem>>
    %dma_wait3A_114 = tpu.memref_squeeze %dma_wait3A_113 : memref<1x32x128xf32, #tpu.memory_space<vmem>> -> memref<32x128xf32, #tpu.memory_space<vmem>>
    %dma_wait3A_115 = arith.constant 0 : i32
    %dma_wait3A_116 = arith.constant 0 : i32
    %dma_wait3A_117 = tpu.memref_slice %arg4[%dma_wait3A_109, %select_n3A, %dma_wait3A_115, %select_n3A_37, %dma_wait3A_116] : memref<50x8x32x8x128xf32, #tpu.memory_space<hbm>> -> memref<1x1x32x1x128xf32, #tpu.memory_space<hbm>>
    %dma_wait3A_118 = tpu.memref_squeeze %dma_wait3A_117 : memref<1x1x32x1x128xf32, #tpu.memory_space<hbm>> -> memref<32x128xf32, #tpu.memory_space<hbm>>
    %dma_wait3A_119 = tpu.memref_slice %arg11[%dma_wait3A_110] : memref<2x!tpu.dma_semaphore, #tpu.memory_space<semaphore_mem>> -> memref<1x!tpu.dma_semaphore, #tpu.memory_space<semaphore_mem>>
    %dma_wait3A_120 = tpu.memref_squeeze %dma_wait3A_119 : memref<1x!tpu.dma_semaphore, #tpu.memory_space<semaphore_mem>> -> memref<!tpu.dma_semaphore, #tpu.memory_space<semaphore_mem>>
    %dma_wait3A_121 = arith.constant 0 : i32
    %dma_wait3A_122 = arith.constant 0 : i32
    %dma_wait3A_123 = tpu.memref_slice %arg4[%dma_wait3A_109, %select_n3A, %dma_wait3A_121, %select_n3A_37, %dma_wait3A_122] : memref<50x8x32x8x128xf32, #tpu.memory_space<hbm>> -> memref<1x1x32x1x128xf32, #tpu.memory_space<hbm>>
    %dma_wait3A_124 = tpu.memref_squeeze %dma_wait3A_123 : memref<1x1x32x1x128xf32, #tpu.memory_space<hbm>> -> memref<32x128xf32, #tpu.memory_space<hbm>>
    %dma_wait3A_125 = arith.constant 0 : i32
    %dma_wait3A_126 = arith.constant 0 : i32
    %dma_wait3A_127 = tpu.memref_slice %arg7[%dma_wait3A_108, %dma_wait3A_125, %dma_wait3A_126] : memref<2x32x128xf32, #tpu.memory_space<vmem>> -> memref<1x32x128xf32, #tpu.memory_space<vmem>>
    %dma_wait3A_128 = tpu.memref_squeeze %dma_wait3A_127 : memref<1x32x128xf32, #tpu.memory_space<vmem>> -> memref<32x128xf32, #tpu.memory_space<vmem>>
    tpu.wait_dma2 semaphore(%dma_wait3A_120 : memref<!tpu.dma_semaphore, #tpu.memory_space<semaphore_mem>>) src(%dma_wait3A_128 : memref<32x128xf32, #tpu.memory_space<vmem>>) dst(%dma_wait3A_124 : memref<32x128xf32, #tpu.memory_space<hbm>>)
    %parallel_loop3A = arith.constant 0 : i32
    %parallel_loop3A_129 = arith.constant 256 : i32
    %parallel_loop3A_130 = arith.constant 1 : i32
    scf.for %parallel_loop3A_522 = %parallel_loop3A to %parallel_loop3A_129 step %parallel_loop3A_130  : i32 {
      %parallel_loop3A_523 = arith.constant 16 : i32
      %parallel_loop3A_524 = arith.muli %parallel_loop3A_522, %parallel_loop3A_523 : i32
      %parallel_loop3A_525 = arith.constant 0 : i32
      %parallel_loop3A_526 = arith.index_cast %parallel_loop3A_525 : i32 to index
      %parallel_loop3A_527 = arith.index_cast %parallel_loop3A_524 : i32 to index
      %parallel_loop3A_528 = tpu.vector_load %arg6[%parallel_loop3A_526, %parallel_loop3A_527] {strides = array<i32>} : memref<2x4096xi32, #tpu.memory_space<vmem>>, vector<16xi32>,
      %parallel_loop3A_529 = arith.constant 7 : i32
      %parallel_loop3A_530 = vector.broadcast %parallel_loop3A_529 : i32 to vector<16xi32>
      %parallel_loop3A_531 = arith.shrui %parallel_loop3A_528, %parallel_loop3A_530 : vector<16xi32>
      %parallel_loop3A_532 = arith.constant 127 : i32
      %parallel_loop3A_533 = vector.broadcast %parallel_loop3A_532 : i32 to vector<16xi32>
      %parallel_loop3A_534 = arith.andi %parallel_loop3A_528, %parallel_loop3A_533 : vector<16xi32>
      %parallel_loop3A_535 = tpu.vector_load_idx %arg5[%parallel_loop3A_531, %parallel_loop3A_534] : memref<782x128xf32, #tpu.memory_space<vmem>>[vector<16xi32>, vector<16xi32>], vector<16xf32>,
      %parallel_loop3A_536 = arith.constant 8 : i32
      %parallel_loop3A_537 = arith.divsi %parallel_loop3A_522, %parallel_loop3A_536 : i32
      %parallel_loop3A_538 = arith.constant 0 : i32
      %parallel_loop3A_539 = arith.cmpi sgt, %parallel_loop3A_522, %parallel_loop3A_538 : i32
      %parallel_loop3A_540 = arith.extui %parallel_loop3A_539 : i1 to i32
      %parallel_loop3A_541 = arith.constant 0 : i32
      %parallel_loop3A_542 = arith.cmpi slt, %parallel_loop3A_522, %parallel_loop3A_541 : i32
      %parallel_loop3A_543 = arith.extui %parallel_loop3A_542 : i1 to i32
      %parallel_loop3A_544 = arith.subi %parallel_loop3A_540, %parallel_loop3A_543 : i32
      %parallel_loop3A_545 = arith.constant 0 : i32
      %parallel_loop3A_546 = arith.cmpi sgt, %parallel_loop3A_536, %parallel_loop3A_545 : i32
      %parallel_loop3A_547 = arith.extui %parallel_loop3A_546 : i1 to i32
      %parallel_loop3A_548 = arith.constant 0 : i32
      %parallel_loop3A_549 = arith.cmpi slt, %parallel_loop3A_536, %parallel_loop3A_548 : i32
      %parallel_loop3A_550 = arith.extui %parallel_loop3A_549 : i1 to i32
      %parallel_loop3A_551 = arith.subi %parallel_loop3A_547, %parallel_loop3A_550 : i32
      %parallel_loop3A_552 = arith.cmpi ne, %parallel_loop3A_544, %parallel_loop3A_551 : i32
      %parallel_loop3A_553 = arith.remsi %parallel_loop3A_522, %parallel_loop3A_536 : i32
      %parallel_loop3A_554 = arith.constant 0 : i32
      %parallel_loop3A_555 = arith.cmpi ne, %parallel_loop3A_553, %parallel_loop3A_554 : i32
      %parallel_loop3A_556 = arith.andi %parallel_loop3A_552, %parallel_loop3A_555 : i1
      %parallel_loop3A_557 = arith.constant 1 : i32
      %parallel_loop3A_558 = arith.subi %parallel_loop3A_537, %parallel_loop3A_557 : i32
      %parallel_loop3A_559 = arith.select %parallel_loop3A_556, %parallel_loop3A_558, %parallel_loop3A_537 : i32
      %parallel_loop3A_560 = arith.constant 8 : i32
      %parallel_loop3A_561 = arith.constant 0 : i32
      %parallel_loop3A_562 = arith.cmpi eq, %parallel_loop3A_560, %parallel_loop3A_561 : i32
      %parallel_loop3A_563 = arith.constant 1 : i32
      %parallel_loop3A_564 = arith.select %parallel_loop3A_562, %parallel_loop3A_563, %parallel_loop3A_560 : i32
      %parallel_loop3A_565 = arith.remsi %parallel_loop3A_522, %parallel_loop3A_564 : i32
      %parallel_loop3A_566 = arith.constant 0 : i32
      %parallel_loop3A_567 = arith.cmpi ne, %parallel_loop3A_565, %parallel_loop3A_566 : i32
      %parallel_loop3A_568 = arith.constant 0 : i32
      %parallel_loop3A_569 = arith.cmpi slt, %parallel_loop3A_565, %parallel_loop3A_568 : i32
      %parallel_loop3A_570 = arith.constant 0 : i32
      %parallel_loop3A_571 = arith.cmpi slt, %parallel_loop3A_564, %parallel_loop3A_570 : i32
      %parallel_loop3A_572 = arith.xori %parallel_loop3A_569, %parallel_loop3A_571 : i1
      %parallel_loop3A_573 = arith.andi %parallel_loop3A_572, %parallel_loop3A_567 : i1
      %parallel_loop3A_574 = arith.addi %parallel_loop3A_565, %parallel_loop3A_564 : i32
      %parallel_loop3A_575 = arith.select %parallel_loop3A_573, %parallel_loop3A_574, %parallel_loop3A_565 : i32
      %parallel_loop3A_576 = arith.constant 16 : i32
      %parallel_loop3A_577 = arith.muli %parallel_loop3A_575, %parallel_loop3A_576 : i32
      %parallel_loop3A_578 = arith.constant 0 : i32
      %parallel_loop3A_579 = arith.index_cast %parallel_loop3A_578 : i32 to index
      %parallel_loop3A_580 = arith.index_cast %parallel_loop3A_559 : i32 to index
      %parallel_loop3A_581 = arith.index_cast %parallel_loop3A_577 : i32 to index
      %parallel_loop3A_582 = tpu.vector_load %arg7[%parallel_loop3A_579, %parallel_loop3A_580, %parallel_loop3A_581] {strides = array<i32>} : memref<2x32x128xf32, #tpu.memory_space<vmem>>, vector<16xf32>,
      tpu.vector_store %arg7[%parallel_loop3A_579, %parallel_loop3A_580, %parallel_loop3A_581], %parallel_loop3A_535 {strides = array<i32>} : memref<2x32x128xf32, #tpu.memory_space<vmem>>, vector<16xf32>,
    } {sc.loop_unroll_factor = 8 : i64, sc.parallel_access}
    %dma_start3A_131 = arith.constant 0 : i32
    %dma_start3A_132 = arith.constant 48 : i32
    %dma_start3A_133 = arith.constant 0 : i32
    %dma_start3A_134 = arith.constant 0 : i32
    %dma_start3A_135 = arith.constant 0 : i32
    %dma_start3A_136 = tpu.memref_slice %arg7[%dma_start3A_131, %dma_start3A_134, %dma_start3A_135] : memref<2x32x128xf32, #tpu.memory_space<vmem>> -> memref<1x32x128xf32, #tpu.memory_space<vmem>>
    %dma_start3A_137 = tpu.memref_squeeze %dma_start3A_136 : memref<1x32x128xf32, #tpu.memory_space<vmem>> -> memref<32x128xf32, #tpu.memory_space<vmem>>
    %dma_start3A_138 = arith.constant 0 : i32
    %dma_start3A_139 = arith.constant 0 : i32
    %dma_start3A_140 = tpu.memref_slice %arg4[%dma_start3A_132, %select_n3A, %dma_start3A_138, %select_n3A_37, %dma_start3A_139] : memref<50x8x32x8x128xf32, #tpu.memory_space<hbm>> -> memref<1x1x32x1x128xf32, #tpu.memory_space<hbm>>
    %dma_start3A_141 = tpu.memref_squeeze %dma_start3A_140 : memref<1x1x32x1x128xf32, #tpu.memory_space<hbm>> -> memref<32x128xf32, #tpu.memory_space<hbm>>
    %dma_start3A_142 = tpu.memref_slice %arg11[%dma_start3A_133] : memref<2x!tpu.dma_semaphore, #tpu.memory_space<semaphore_mem>> -> memref<1x!tpu.dma_semaphore, #tpu.memory_space<semaphore_mem>>
    %dma_start3A_143 = tpu.memref_squeeze %dma_start3A_142 : memref<1x!tpu.dma_semaphore, #tpu.memory_space<semaphore_mem>> -> memref<!tpu.dma_semaphore, #tpu.memory_space<semaphore_mem>>
    %dma_start3A_144 = arith.constant 0 : i32
    %dma_start3A_145 = arith.constant 0 : i32
    %dma_start3A_146 = tpu.memref_slice %arg4[%dma_start3A_132, %select_n3A, %dma_start3A_144, %select_n3A_37, %dma_start3A_145] : memref<50x8x32x8x128xf32, #tpu.memory_space<hbm>> -> memref<1x1x32x1x128xf32, #tpu.memory_space<hbm>>
    %dma_start3A_147 = tpu.memref_squeeze %dma_start3A_146 : memref<1x1x32x1x128xf32, #tpu.memory_space<hbm>> -> memref<32x128xf32, #tpu.memory_space<hbm>>
    %dma_start3A_148 = arith.constant 0 : i32
    %dma_start3A_149 = arith.constant 0 : i32
    %dma_start3A_150 = tpu.memref_slice %arg7[%dma_start3A_131, %dma_start3A_148, %dma_start3A_149] : memref<2x32x128xf32, #tpu.memory_space<vmem>> -> memref<1x32x128xf32, #tpu.memory_space<vmem>>
    %dma_start3A_151 = tpu.memref_squeeze %dma_start3A_150 : memref<1x32x128xf32, #tpu.memory_space<vmem>> -> memref<32x128xf32, #tpu.memory_space<vmem>>
    tpu.enqueue_dma source(%dma_start3A_151 : memref<32x128xf32, #tpu.memory_space<vmem>>) target(%dma_start3A_147 : memref<32x128xf32, #tpu.memory_space<hbm>>) target_semaphore(%dma_start3A_143 : memref<!tpu.dma_semaphore, #tpu.memory_space<semaphore_mem>>)
    %dma_wait3A_152 = arith.constant 49 : i32
    %dma_wait3A_153 = arith.constant 1 : i32
    %dma_wait3A_154 = arith.constant 1 : i32
    %dma_wait3A_155 = arith.constant 0 : i32
    %dma_wait3A_156 = tpu.memref_slice %arg6[%dma_wait3A_153, %dma_wait3A_155] : memref<2x4096xi32, #tpu.memory_space<vmem>> -> memref<1x4096xi32, #tpu.memory_space<vmem>>
    %dma_wait3A_157 = tpu.memref_squeeze %dma_wait3A_156 : memref<1x4096xi32, #tpu.memory_space<vmem>> -> memref<4096xi32, #tpu.memory_space<vmem>>
    %dma_wait3A_158 = arith.constant 0 : i32
    %dma_wait3A_159 = tpu.memref_slice %arg8[%dma_wait3A_152, %dma_wait3A_158] : memref<50x4096xi32, #tpu.memory_space<vmem_shared>> -> memref<1x4096xi32, #tpu.memory_space<vmem_shared>>
    %dma_wait3A_160 = tpu.memref_squeeze %dma_wait3A_159 : memref<1x4096xi32, #tpu.memory_space<vmem_shared>> -> memref<4096xi32, #tpu.memory_space<vmem_shared>>
    %dma_wait3A_161 = tpu.memref_slice %arg10[%dma_wait3A_154] : memref<2x!tpu.dma_semaphore, #tpu.memory_space<semaphore_mem>> -> memref<1x!tpu.dma_semaphore, #tpu.memory_space<semaphore_mem>>
    %dma_wait3A_162 = tpu.memref_squeeze %dma_wait3A_161 : memref<1x!tpu.dma_semaphore, #tpu.memory_space<semaphore_mem>> -> memref<!tpu.dma_semaphore, #tpu.memory_space<semaphore_mem>>
    %dma_wait3A_163 = arith.constant 0 : i32
    %dma_wait3A_164 = tpu.memref_slice %arg6[%dma_wait3A_153, %dma_wait3A_163] : memref<2x4096xi32, #tpu.memory_space<vmem>> -> memref<1x4096xi32, #tpu.memory_space<vmem>>
    %dma_wait3A_165 = tpu.memref_squeeze %dma_wait3A_164 : memref<1x4096xi32, #tpu.memory_space<vmem>> -> memref<4096xi32, #tpu.memory_space<vmem>>
    %dma_wait3A_166 = arith.constant 0 : i32
    %dma_wait3A_167 = tpu.memref_slice %arg8[%dma_wait3A_152, %dma_wait3A_166] : memref<50x4096xi32, #tpu.memory_space<vmem_shared>> -> memref<1x4096xi32, #tpu.memory_space<vmem_shared>>
    %dma_wait3A_168 = tpu.memref_squeeze %dma_wait3A_167 : memref<1x4096xi32, #tpu.memory_space<vmem_shared>> -> memref<4096xi32, #tpu.memory_space<vmem_shared>>
    tpu.wait_dma2 semaphore(%dma_wait3A_162 : memref<!tpu.dma_semaphore, #tpu.memory_space<semaphore_mem>>) src(%dma_wait3A_168 : memref<4096xi32, #tpu.memory_space<vmem_shared>>) dst(%dma_wait3A_165 : memref<4096xi32, #tpu.memory_space<vmem>>)
    %dma_wait3A_169 = arith.constant 1 : i32
    %dma_wait3A_170 = arith.constant 47 : i32
    %dma_wait3A_171 = arith.constant 1 : i32
    %dma_wait3A_172 = arith.constant 0 : i32
    %dma_wait3A_173 = arith.constant 0 : i32
    %dma_wait3A_174 = tpu.memref_slice %arg7[%dma_wait3A_169, %dma_wait3A_172, %dma_wait3A_173] : memref<2x32x128xf32, #tpu.memory_space<vmem>> -> memref<1x32x128xf32, #tpu.memory_space<vmem>>
    %dma_wait3A_175 = tpu.memref_squeeze %dma_wait3A_174 : memref<1x32x128xf32, #tpu.memory_space<vmem>> -> memref<32x128xf32, #tpu.memory_space<vmem>>
    %dma_wait3A_176 = arith.constant 0 : i32
    %dma_wait3A_177 = arith.constant 0 : i32
    %dma_wait3A_178 = tpu.memref_slice %arg4[%dma_wait3A_170, %select_n3A, %dma_wait3A_176, %select_n3A_37, %dma_wait3A_177] : memref<50x8x32x8x128xf32, #tpu.memory_space<hbm>> -> memref<1x1x32x1x128xf32, #tpu.memory_space<hbm>>
    %dma_wait3A_179 = tpu.memref_squeeze %dma_wait3A_178 : memref<1x1x32x1x128xf32, #tpu.memory_space<hbm>> -> memref<32x128xf32, #tpu.memory_space<hbm>>
    %dma_wait3A_180 = tpu.memref_slice %arg11[%dma_wait3A_171] : memref<2x!tpu.dma_semaphore, #tpu.memory_space<semaphore_mem>> -> memref<1x!tpu.dma_semaphore, #tpu.memory_space<semaphore_mem>>
    %dma_wait3A_181 = tpu.memref_squeeze %dma_wait3A_180 : memref<1x!tpu.dma_semaphore, #tpu.memory_space<semaphore_mem>> -> memref<!tpu.dma_semaphore, #tpu.memory_space<semaphore_mem>>
    %dma_wait3A_182 = arith.constant 0 : i32
    %dma_wait3A_183 = arith.constant 0 : i32
    %dma_wait3A_184 = tpu.memref_slice %arg4[%dma_wait3A_170, %select_n3A, %dma_wait3A_182, %select_n3A_37, %dma_wait3A_183] : memref<50x8x32x8x128xf32, #tpu.memory_space<hbm>> -> memref<1x1x32x1x128xf32, #tpu.memory_space<hbm>>
    %dma_wait3A_185 = tpu.memref_squeeze %dma_wait3A_184 : memref<1x1x32x1x128xf32, #tpu.memory_space<hbm>> -> memref<32x128xf32, #tpu.memory_space<hbm>>
    %dma_wait3A_186 = arith.constant 0 : i32
    %dma_wait3A_187 = arith.constant 0 : i32
    %dma_wait3A_188 = tpu.memref_slice %arg7[%dma_wait3A_169, %dma_wait3A_186, %dma_wait3A_187] : memref<2x32x128xf32, #tpu.memory_space<vmem>> -> memref<1x32x128xf32, #tpu.memory_space<vmem>>
    %dma_wait3A_189 = tpu.memref_squeeze %dma_wait3A_188 : memref<1x32x128xf32, #tpu.memory_space<vmem>> -> memref<32x128xf32, #tpu.memory_space<vmem>>
    tpu.wait_dma2 semaphore(%dma_wait3A_181 : memref<!tpu.dma_semaphore, #tpu.memory_space<semaphore_mem>>) src(%dma_wait3A_189 : memref<32x128xf32, #tpu.memory_space<vmem>>) dst(%dma_wait3A_185 : memref<32x128xf32, #tpu.memory_space<hbm>>)
    %parallel_loop3A_190 = arith.constant 0 : i32
    %parallel_loop3A_191 = arith.constant 256 : i32
    %parallel_loop3A_192 = arith.constant 1 : i32
    scf.for %parallel_loop3A_522 = %parallel_loop3A_190 to %parallel_loop3A_191 step %parallel_loop3A_192  : i32 {
      %parallel_loop3A_523 = arith.constant 16 : i32
      %parallel_loop3A_524 = arith.muli %parallel_loop3A_522, %parallel_loop3A_523 : i32
      %parallel_loop3A_525 = arith.constant 1 : i32
      %parallel_loop3A_526 = arith.index_cast %parallel_loop3A_525 : i32 to index
      %parallel_loop3A_527 = arith.index_cast %parallel_loop3A_524 : i32 to index
      %parallel_loop3A_528 = tpu.vector_load %arg6[%parallel_loop3A_526, %parallel_loop3A_527] {strides = array<i32>} : memref<2x4096xi32, #tpu.memory_space<vmem>>, vector<16xi32>,
      %parallel_loop3A_529 = arith.constant 7 : i32
      %parallel_loop3A_530 = vector.broadcast %parallel_loop3A_529 : i32 to vector<16xi32>
      %parallel_loop3A_531 = arith.shrui %parallel_loop3A_528, %parallel_loop3A_530 : vector<16xi32>
      %parallel_loop3A_532 = arith.constant 127 : i32
      %parallel_loop3A_533 = vector.broadcast %parallel_loop3A_532 : i32 to vector<16xi32>
      %parallel_loop3A_534 = arith.andi %parallel_loop3A_528, %parallel_loop3A_533 : vector<16xi32>
      %parallel_loop3A_535 = tpu.vector_load_idx %arg5[%parallel_loop3A_531, %parallel_loop3A_534] : memref<782x128xf32, #tpu.memory_space<vmem>>[vector<16xi32>, vector<16xi32>], vector<16xf32>,
      %parallel_loop3A_536 = arith.constant 8 : i32
      %parallel_loop3A_537 = arith.divsi %parallel_loop3A_522, %parallel_loop3A_536 : i32
      %parallel_loop3A_538 = arith.constant 0 : i32
      %parallel_loop3A_539 = arith.cmpi sgt, %parallel_loop3A_522, %parallel_loop3A_538 : i32
      %parallel_loop3A_540 = arith.extui %parallel_loop3A_539 : i1 to i32
      %parallel_loop3A_541 = arith.constant 0 : i32
      %parallel_loop3A_542 = arith.cmpi slt, %parallel_loop3A_522, %parallel_loop3A_541 : i32
      %parallel_loop3A_543 = arith.extui %parallel_loop3A_542 : i1 to i32
      %parallel_loop3A_544 = arith.subi %parallel_loop3A_540, %parallel_loop3A_543 : i32
      %parallel_loop3A_545 = arith.constant 0 : i32
      %parallel_loop3A_546 = arith.cmpi sgt, %parallel_loop3A_536, %parallel_loop3A_545 : i32
      %parallel_loop3A_547 = arith.extui %parallel_loop3A_546 : i1 to i32
      %parallel_loop3A_548 = arith.constant 0 : i32
      %parallel_loop3A_549 = arith.cmpi slt, %parallel_loop3A_536, %parallel_loop3A_548 : i32
      %parallel_loop3A_550 = arith.extui %parallel_loop3A_549 : i1 to i32
      %parallel_loop3A_551 = arith.subi %parallel_loop3A_547, %parallel_loop3A_550 : i32
      %parallel_loop3A_552 = arith.cmpi ne, %parallel_loop3A_544, %parallel_loop3A_551 : i32
      %parallel_loop3A_553 = arith.remsi %parallel_loop3A_522, %parallel_loop3A_536 : i32
      %parallel_loop3A_554 = arith.constant 0 : i32
      %parallel_loop3A_555 = arith.cmpi ne, %parallel_loop3A_553, %parallel_loop3A_554 : i32
      %parallel_loop3A_556 = arith.andi %parallel_loop3A_552, %parallel_loop3A_555 : i1
      %parallel_loop3A_557 = arith.constant 1 : i32
      %parallel_loop3A_558 = arith.subi %parallel_loop3A_537, %parallel_loop3A_557 : i32
      %parallel_loop3A_559 = arith.select %parallel_loop3A_556, %parallel_loop3A_558, %parallel_loop3A_537 : i32
      %parallel_loop3A_560 = arith.constant 8 : i32
      %parallel_loop3A_561 = arith.constant 0 : i32
      %parallel_loop3A_562 = arith.cmpi eq, %parallel_loop3A_560, %parallel_loop3A_561 : i32
      %parallel_loop3A_563 = arith.constant 1 : i32
      %parallel_loop3A_564 = arith.select %parallel_loop3A_562, %parallel_loop3A_563, %parallel_loop3A_560 : i32
      %parallel_loop3A_565 = arith.remsi %parallel_loop3A_522, %parallel_loop3A_564 : i32
      %parallel_loop3A_566 = arith.constant 0 : i32
      %parallel_loop3A_567 = arith.cmpi ne, %parallel_loop3A_565, %parallel_loop3A_566 : i32
      %parallel_loop3A_568 = arith.constant 0 : i32
      %parallel_loop3A_569 = arith.cmpi slt, %parallel_loop3A_565, %parallel_loop3A_568 : i32
      %parallel_loop3A_570 = arith.constant 0 : i32
      %parallel_loop3A_571 = arith.cmpi slt, %parallel_loop3A_564, %parallel_loop3A_570 : i32
      %parallel_loop3A_572 = arith.xori %parallel_loop3A_569, %parallel_loop3A_571 : i1
      %parallel_loop3A_573 = arith.andi %parallel_loop3A_572, %parallel_loop3A_567 : i1
      %parallel_loop3A_574 = arith.addi %parallel_loop3A_565, %parallel_loop3A_564 : i32
      %parallel_loop3A_575 = arith.select %parallel_loop3A_573, %parallel_loop3A_574, %parallel_loop3A_565 : i32
      %parallel_loop3A_576 = arith.constant 16 : i32
      %parallel_loop3A_577 = arith.muli %parallel_loop3A_575, %parallel_loop3A_576 : i32
      %parallel_loop3A_578 = arith.constant 1 : i32
      %parallel_loop3A_579 = arith.index_cast %parallel_loop3A_578 : i32 to index
      %parallel_loop3A_580 = arith.index_cast %parallel_loop3A_559 : i32 to index
      %parallel_loop3A_581 = arith.index_cast %parallel_loop3A_577 : i32 to index
      %parallel_loop3A_582 = tpu.vector_load %arg7[%parallel_loop3A_579, %parallel_loop3A_580, %parallel_loop3A_581] {strides = array<i32>} : memref<2x32x128xf32, #tpu.memory_space<vmem>>, vector<16xf32>,
      tpu.vector_store %arg7[%parallel_loop3A_579, %parallel_loop3A_580, %parallel_loop3A_581], %parallel_loop3A_535 {strides = array<i32>} : memref<2x32x128xf32, #tpu.memory_space<vmem>>, vector<16xf32>,
    } {sc.loop_unroll_factor = 8 : i64, sc.parallel_access}
    %dma_start3A_193 = arith.constant 1 : i32
    %dma_start3A_194 = arith.constant 49 : i32
    %dma_start3A_195 = arith.constant 1 : i32
    %dma_start3A_196 = arith.constant 0 : i32
    %dma_start3A_197 = arith.constant 0 : i32
    %dma_start3A_198 = tpu.memref_slice %arg7[%dma_start3A_193, %dma_start3A_196, %dma_start3A_197] : memref<2x32x128xf32, #tpu.memory_space<vmem>> -> memref<1x32x128xf32, #tpu.memory_space<vmem>>
    %dma_start3A_199 = tpu.memref_squeeze %dma_start3A_198 : memref<1x32x128xf32, #tpu.memory_space<vmem>> -> memref<32x128xf32, #tpu.memory_space<vmem>>
    %dma_start3A_200 = arith.constant 0 : i32
    %dma_start3A_201 = arith.constant 0 : i32
    %dma_start3A_202 = tpu.memref_slice %arg4[%dma_start3A_194, %select_n3A, %dma_start3A_200, %select_n3A_37, %dma_start3A_201] : memref<50x8x32x8x128xf32, #tpu.memory_space<hbm>> -> memref<1x1x32x1x128xf32, #tpu.memory_space<hbm>>
    %dma_start3A_203 = tpu.memref_squeeze %dma_start3A_202 : memref<1x1x32x1x128xf32, #tpu.memory_space<hbm>> -> memref<32x128xf32, #tpu.memory_space<hbm>>
    %dma_start3A_204 = tpu.memref_slice %arg11[%dma_start3A_195] : memref<2x!tpu.dma_semaphore, #tpu.memory_space<semaphore_mem>> -> memref<1x!tpu.dma_semaphore, #tpu.memory_space<semaphore_mem>>
    %dma_start3A_205 = tpu.memref_squeeze %dma_start3A_204 : memref<1x!tpu.dma_semaphore, #tpu.memory_space<semaphore_mem>> -> memref<!tpu.dma_semaphore, #tpu.memory_space<semaphore_mem>>
    %dma_start3A_206 = arith.constant 0 : i32
    %dma_start3A_207 = arith.constant 0 : i32
    %dma_start3A_208 = tpu.memref_slice %arg4[%dma_start3A_194, %select_n3A, %dma_start3A_206, %select_n3A_37, %dma_start3A_207] : memref<50x8x32x8x128xf32, #tpu.memory_space<hbm>> -> memref<1x1x32x1x128xf32, #tpu.memory_space<hbm>>
    %dma_start3A_209 = tpu.memref_squeeze %dma_start3A_208 : memref<1x1x32x1x128xf32, #tpu.memory_space<hbm>> -> memref<32x128xf32, #tpu.memory_space<hbm>>
    %dma_start3A_210 = arith.constant 0 : i32
    %dma_start3A_211 = arith.constant 0 : i32
    %dma_start3A_212 = tpu.memref_slice %arg7[%dma_start3A_193, %dma_start3A_210, %dma_start3A_211] : memref<2x32x128xf32, #tpu.memory_space<vmem>> -> memref<1x32x128xf32, #tpu.memory_space<vmem>>
    %dma_start3A_213 = tpu.memref_squeeze %dma_start3A_212 : memref<1x32x128xf32, #tpu.memory_space<vmem>> -> memref<32x128xf32, #tpu.memory_space<vmem>>
    tpu.enqueue_dma source(%dma_start3A_213 : memref<32x128xf32, #tpu.memory_space<vmem>>) target(%dma_start3A_209 : memref<32x128xf32, #tpu.memory_space<hbm>>) target_semaphore(%dma_start3A_205 : memref<!tpu.dma_semaphore, #tpu.memory_space<semaphore_mem>>)
    %dma_wait3A_214 = arith.constant 0 : i32
    %dma_wait3A_215 = arith.constant 48 : i32
    %dma_wait3A_216 = arith.constant 0 : i32
    %dma_wait3A_217 = arith.constant 0 : i32
    %dma_wait3A_218 = arith.constant 0 : i32
    %dma_wait3A_219 = tpu.memref_slice %arg7[%dma_wait3A_214, %dma_wait3A_217, %dma_wait3A_218] : memref<2x32x128xf32, #tpu.memory_space<vmem>> -> memref<1x32x128xf32, #tpu.memory_space<vmem>>
    %dma_wait3A_220 = tpu.memref_squeeze %dma_wait3A_219 : memref<1x32x128xf32, #tpu.memory_space<vmem>> -> memref<32x128xf32, #tpu.memory_space<vmem>>
    %dma_wait3A_221 = arith.constant 0 : i32
    %dma_wait3A_222 = arith.constant 0 : i32
    %dma_wait3A_223 = tpu.memref_slice %arg4[%dma_wait3A_215, %select_n3A, %dma_wait3A_221, %select_n3A_37, %dma_wait3A_222] : memref<50x8x32x8x128xf32, #tpu.memory_space<hbm>> -> memref<1x1x32x1x128xf32, #tpu.memory_space<hbm>>
    %dma_wait3A_224 = tpu.memref_squeeze %dma_wait3A_223 : memref<1x1x32x1x128xf32, #tpu.memory_space<hbm>> -> memref<32x128xf32, #tpu.memory_space<hbm>>
    %dma_wait3A_225 = tpu.memref_slice %arg11[%dma_wait3A_216] : memref<2x!tpu.dma_semaphore, #tpu.memory_space<semaphore_mem>> -> memref<1x!tpu.dma_semaphore, #tpu.memory_space<semaphore_mem>>
    %dma_wait3A_226 = tpu.memref_squeeze %dma_wait3A_225 : memref<1x!tpu.dma_semaphore, #tpu.memory_space<semaphore_mem>> -> memref<!tpu.dma_semaphore, #tpu.memory_space<semaphore_mem>>
    %dma_wait3A_227 = arith.constant 0 : i32
    %dma_wait3A_228 = arith.constant 0 : i32
    %dma_wait3A_229 = tpu.memref_slice %arg4[%dma_wait3A_215, %select_n3A, %dma_wait3A_227, %select_n3A_37, %dma_wait3A_228] : memref<50x8x32x8x128xf32, #tpu.memory_space<hbm>> -> memref<1x1x32x1x128xf32, #tpu.memory_space<hbm>>
    %dma_wait3A_230 = tpu.memref_squeeze %dma_wait3A_229 : memref<1x1x32x1x128xf32, #tpu.memory_space<hbm>> -> memref<32x128xf32, #tpu.memory_space<hbm>>
    %dma_wait3A_231 = arith.constant 0 : i32
    %dma_wait3A_232 = arith.constant 0 : i32
    %dma_wait3A_233 = tpu.memref_slice %arg7[%dma_wait3A_214, %dma_wait3A_231, %dma_wait3A_232] : memref<2x32x128xf32, #tpu.memory_space<vmem>> -> memref<1x32x128xf32, #tpu.memory_space<vmem>>
    %dma_wait3A_234 = tpu.memref_squeeze %dma_wait3A_233 : memref<1x32x128xf32, #tpu.memory_space<vmem>> -> memref<32x128xf32, #tpu.memory_space<vmem>>
    tpu.wait_dma2 semaphore(%dma_wait3A_226 : memref<!tpu.dma_semaphore, #tpu.memory_space<semaphore_mem>>) src(%dma_wait3A_234 : memref<32x128xf32, #tpu.memory_space<vmem>>) dst(%dma_wait3A_230 : memref<32x128xf32, #tpu.memory_space<hbm>>)
    %dma_wait3A_235 = arith.constant 1 : i32
    %dma_wait3A_236 = arith.constant 49 : i32
    %dma_wait3A_237 = arith.constant 1 : i32
    %dma_wait3A_238 = arith.constant 0 : i32
    %dma_wait3A_239 = arith.constant 0 : i32
    %dma_wait3A_240 = tpu.memref_slice %arg7[%dma_wait3A_235, %dma_wait3A_238, %dma_wait3A_239] : memref<2x32x128xf32, #tpu.memory_space<vmem>> -> memref<1x32x128xf32, #tpu.memory_space<vmem>>
    %dma_wait3A_241 = tpu.memref_squeeze %dma_wait3A_240 : memref<1x32x128xf32, #tpu.memory_space<vmem>> -> memref<32x128xf32, #tpu.memory_space<vmem>>
    %dma_wait3A_242 = arith.constant 0 : i32
    %dma_wait3A_243 = arith.constant 0 : i32
    %dma_wait3A_244 = tpu.memref_slice %arg4[%dma_wait3A_236, %select_n3A, %dma_wait3A_242, %select_n3A_37, %dma_wait3A_243] : memref<50x8x32x8x128xf32, #tpu.memory_space<hbm>> -> memref<1x1x32x1x128xf32, #tpu.memory_space<hbm>>
    %dma_wait3A_245 = tpu.memref_squeeze %dma_wait3A_244 : memref<1x1x32x1x128xf32, #tpu.memory_space<hbm>> -> memref<32x128xf32, #tpu.memory_space<hbm>>
    %dma_wait3A_246 = tpu.memref_slice %arg11[%dma_wait3A_237] : memref<2x!tpu.dma_semaphore, #tpu.memory_space<semaphore_mem>> -> memref<1x!tpu.dma_semaphore, #tpu.memory_space<semaphore_mem>>
    %dma_wait3A_247 = tpu.memref_squeeze %dma_wait3A_246 : memref<1x!tpu.dma_semaphore, #tpu.memory_space<semaphore_mem>> -> memref<!tpu.dma_semaphore, #tpu.memory_space<semaphore_mem>>
    %dma_wait3A_248 = arith.constant 0 : i32
    %dma_wait3A_249 = arith.constant 0 : i32
    %dma_wait3A_250 = tpu.memref_slice %arg4[%dma_wait3A_236, %select_n3A, %dma_wait3A_248, %select_n3A_37, %dma_wait3A_249] : memref<50x8x32x8x128xf32, #tpu.memory_space<hbm>> -> memref<1x1x32x1x128xf32, #tpu.memory_space<hbm>>
    %dma_wait3A_251 = tpu.memref_squeeze %dma_wait3A_250 : memref<1x1x32x1x128xf32, #tpu.memory_space<hbm>> -> memref<32x128xf32, #tpu.memory_space<hbm>>
    %dma_wait3A_252 = arith.constant 0 : i32
    %dma_wait3A_253 = arith.constant 0 : i32
    %dma_wait3A_254 = tpu.memref_slice %arg7[%dma_wait3A_235, %dma_wait3A_252, %dma_wait3A_253] : memref<2x32x128xf32, #tpu.memory_space<vmem>> -> memref<1x32x128xf32, #tpu.memory_space<vmem>>
    %dma_wait3A_255 = tpu.memref_squeeze %dma_wait3A_254 : memref<1x32x128xf32, #tpu.memory_space<vmem>> -> memref<32x128xf32, #tpu.memory_space<vmem>>
    tpu.wait_dma2 semaphore(%dma_wait3A_247 : memref<!tpu.dma_semaphore, #tpu.memory_space<semaphore_mem>>) src(%dma_wait3A_255 : memref<32x128xf32, #tpu.memory_space<vmem>>) dst(%dma_wait3A_251 : memref<32x128xf32, #tpu.memory_space<hbm>>)
    %mul3A_256 = arith.constant 2 : i32
    %mul3A_257 = arith.muli %add3A, %mul3A_256 : i32
    %add3A_258 = arith.constant 1 : i32
    %add3A_259 = arith.addi %mul3A_257, %add3A_258 : i32
    %jit3A_260 = arith.constant 8 : i32
    %div3A_261 = arith.divsi %add3A_259, %jit3A_260 : i32
    %sign3A_262 = arith.constant 0 : i32
    %sign3A_263 = arith.cmpi sgt, %add3A_259, %sign3A_262 : i32
    %sign3A_264 = arith.extui %sign3A_263 : i1 to i32
    %sign3A_265 = arith.constant 0 : i32
    %sign3A_266 = arith.cmpi slt, %add3A_259, %sign3A_265 : i32
    %sign3A_267 = arith.extui %sign3A_266 : i1 to i32
    %sign3A_268 = arith.subi %sign3A_264, %sign3A_267 : i32
    %sign3A_269 = arith.constant 0 : i32
    %sign3A_270 = arith.cmpi sgt, %jit3A_260, %sign3A_269 : i32
    %sign3A_271 = arith.extui %sign3A_270 : i1 to i32
    %sign3A_272 = arith.constant 0 : i32
    %sign3A_273 = arith.cmpi slt, %jit3A_260, %sign3A_272 : i32
    %sign3A_274 = arith.extui %sign3A_273 : i1 to i32
    %sign3A_275 = arith.subi %sign3A_271, %sign3A_274 : i32
    %ne3A_276 = arith.cmpi ne, %sign3A_268, %sign3A_275 : i32
    %rem3A_277 = arith.remsi %add3A_259, %jit3A_260 : i32
    %ne3A_278 = arith.constant 0 : i32
    %ne3A_279 = arith.cmpi ne, %rem3A_277, %ne3A_278 : i32
    %and3A_280 = arith.andi %ne3A_276, %ne3A_279 : i1
    %sub3A_281 = arith.constant 1 : i32
    %sub3A_282 = arith.subi %div3A_261, %sub3A_281 : i32
    %select_n3A_283 = arith.select %and3A_280, %sub3A_282, %div3A_261 : i32
    %jit3A_284 = arith.constant 8 : i32
    %eq3A_285 = arith.constant 0 : i32
    %eq3A_286 = arith.cmpi eq, %jit3A_284, %eq3A_285 : i32
    %jit3A_287 = arith.constant 1 : i32
    %select_n3A_288 = arith.select %eq3A_286, %jit3A_287, %jit3A_284 : i32
    %rem3A_289 = arith.remsi %add3A_259, %select_n3A_288 : i32
    %ne3A_290 = arith.constant 0 : i32
    %ne3A_291 = arith.cmpi ne, %rem3A_289, %ne3A_290 : i32
    %lt3A_292 = arith.constant 0 : i32
    %lt3A_293 = arith.cmpi slt, %rem3A_289, %lt3A_292 : i32
    %lt3A_294 = arith.constant 0 : i32
    %lt3A_295 = arith.cmpi slt, %select_n3A_288, %lt3A_294 : i32
    %ne3A_296 = arith.xori %lt3A_293, %lt3A_295 : i1
    %and3A_297 = arith.andi %ne3A_296, %ne3A_291 : i1
    %add3A_298 = arith.addi %rem3A_289, %select_n3A_288 : i32
    %select_n3A_299 = arith.select %and3A_297, %add3A_298, %rem3A_289 : i32
    %dma_start3A_300 = arith.constant 0 : i32
    %dma_start3A_301 = arith.constant 0 : i32
    %dma_start3A_302 = tpu.memref_slice %arg2[%select_n3A_283, %dma_start3A_300, %select_n3A_299, %dma_start3A_301] : memref<8x782x8x128xf32, #tpu.memory_space<hbm>> -> memref<1x782x1x128xf32, #tpu.memory_space<hbm>>
    %dma_start3A_303 = tpu.memref_squeeze %dma_start3A_302 : memref<1x782x1x128xf32, #tpu.memory_space<hbm>> -> memref<782x128xf32, #tpu.memory_space<hbm>>
    %dma_start3A_304 = arith.constant 0 : i32
    %dma_start3A_305 = arith.constant 0 : i32
    %dma_start3A_306 = tpu.memref_slice %arg2[%select_n3A_283, %dma_start3A_304, %select_n3A_299, %dma_start3A_305] : memref<8x782x8x128xf32, #tpu.memory_space<hbm>> -> memref<1x782x1x128xf32, #tpu.memory_space<hbm>>
    %dma_start3A_307 = tpu.memref_squeeze %dma_start3A_306 : memref<1x782x1x128xf32, #tpu.memory_space<hbm>> -> memref<782x128xf32, #tpu.memory_space<hbm>>
    tpu.enqueue_dma source(%dma_start3A_307 : memref<782x128xf32, #tpu.memory_space<hbm>>) target(%arg5 : memref<782x128xf32, #tpu.memory_space<vmem>>) target_semaphore(%arg9 : memref<!tpu.dma_semaphore, #tpu.memory_space<semaphore_mem>>)
    %dma_start3A_308 = arith.constant 0 : i32
    %dma_start3A_309 = arith.constant 0 : i32
    %dma_start3A_310 = arith.constant 0 : i32
    %dma_start3A_311 = arith.constant 0 : i32
    %dma_start3A_312 = tpu.memref_slice %arg6[%dma_start3A_309, %dma_start3A_311] : memref<2x4096xi32, #tpu.memory_space<vmem>> -> memref<1x4096xi32, #tpu.memory_space<vmem>>
    %dma_start3A_313 = tpu.memref_squeeze %dma_start3A_312 : memref<1x4096xi32, #tpu.memory_space<vmem>> -> memref<4096xi32, #tpu.memory_space<vmem>>
    %dma_start3A_314 = arith.constant 0 : i32
    %dma_start3A_315 = tpu.memref_slice %arg8[%dma_start3A_308, %dma_start3A_314] : memref<50x4096xi32, #tpu.memory_space<vmem_shared>> -> memref<1x4096xi32, #tpu.memory_space<vmem_shared>>
    %dma_start3A_316 = tpu.memref_squeeze %dma_start3A_315 : memref<1x4096xi32, #tpu.memory_space<vmem_shared>> -> memref<4096xi32, #tpu.memory_space<vmem_shared>>
    %dma_start3A_317 = tpu.memref_slice %arg10[%dma_start3A_310] : memref<2x!tpu.dma_semaphore, #tpu.memory_space<semaphore_mem>> -> memref<1x!tpu.dma_semaphore, #tpu.memory_space<semaphore_mem>>
    %dma_start3A_318 = tpu.memref_squeeze %dma_start3A_317 : memref<1x!tpu.dma_semaphore, #tpu.memory_space<semaphore_mem>> -> memref<!tpu.dma_semaphore, #tpu.memory_space<semaphore_mem>>
    %dma_start3A_319 = arith.constant 0 : i32
    %dma_start3A_320 = tpu.memref_slice %arg6[%dma_start3A_309, %dma_start3A_319] : memref<2x4096xi32, #tpu.memory_space<vmem>> -> memref<1x4096xi32, #tpu.memory_space<vmem>>
    %dma_start3A_321 = tpu.memref_squeeze %dma_start3A_320 : memref<1x4096xi32, #tpu.memory_space<vmem>> -> memref<4096xi32, #tpu.memory_space<vmem>>
    %dma_start3A_322 = arith.constant 0 : i32
    %dma_start3A_323 = tpu.memref_slice %arg8[%dma_start3A_308, %dma_start3A_322] : memref<50x4096xi32, #tpu.memory_space<vmem_shared>> -> memref<1x4096xi32, #tpu.memory_space<vmem_shared>>
    %dma_start3A_324 = tpu.memref_squeeze %dma_start3A_323 : memref<1x4096xi32, #tpu.memory_space<vmem_shared>> -> memref<4096xi32, #tpu.memory_space<vmem_shared>>
    tpu.enqueue_dma source(%dma_start3A_324 : memref<4096xi32, #tpu.memory_space<vmem_shared>>) target(%dma_start3A_321 : memref<4096xi32, #tpu.memory_space<vmem>>) target_semaphore(%dma_start3A_318 : memref<!tpu.dma_semaphore, #tpu.memory_space<semaphore_mem>>)
    %dma_start3A_325 = arith.constant 1 : i32
    %dma_start3A_326 = arith.constant 1 : i32
    %dma_start3A_327 = arith.constant 1 : i32
    %dma_start3A_328 = arith.constant 0 : i32
    %dma_start3A_329 = tpu.memref_slice %arg6[%dma_start3A_326, %dma_start3A_328] : memref<2x4096xi32, #tpu.memory_space<vmem>> -> memref<1x4096xi32, #tpu.memory_space<vmem>>
    %dma_start3A_330 = tpu.memref_squeeze %dma_start3A_329 : memref<1x4096xi32, #tpu.memory_space<vmem>> -> memref<4096xi32, #tpu.memory_space<vmem>>
    %dma_start3A_331 = arith.constant 0 : i32
    %dma_start3A_332 = tpu.memref_slice %arg8[%dma_start3A_325, %dma_start3A_331] : memref<50x4096xi32, #tpu.memory_space<vmem_shared>> -> memref<1x4096xi32, #tpu.memory_space<vmem_shared>>
    %dma_start3A_333 = tpu.memref_squeeze %dma_start3A_332 : memref<1x4096xi32, #tpu.memory_space<vmem_shared>> -> memref<4096xi32, #tpu.memory_space<vmem_shared>>
    %dma_start3A_334 = tpu.memref_slice %arg10[%dma_start3A_327] : memref<2x!tpu.dma_semaphore, #tpu.memory_space<semaphore_mem>> -> memref<1x!tpu.dma_semaphore, #tpu.memory_space<semaphore_mem>>
    %dma_start3A_335 = tpu.memref_squeeze %dma_start3A_334 : memref<1x!tpu.dma_semaphore, #tpu.memory_space<semaphore_mem>> -> memref<!tpu.dma_semaphore, #tpu.memory_space<semaphore_mem>>
    %dma_start3A_336 = arith.constant 0 : i32
    %dma_start3A_337 = tpu.memref_slice %arg6[%dma_start3A_326, %dma_start3A_336] : memref<2x4096xi32, #tpu.memory_space<vmem>> -> memref<1x4096xi32, #tpu.memory_space<vmem>>
    %dma_start3A_338 = tpu.memref_squeeze %dma_start3A_337 : memref<1x4096xi32, #tpu.memory_space<vmem>> -> memref<4096xi32, #tpu.memory_space<vmem>>
    %dma_start3A_339 = arith.constant 0 : i32
    %dma_start3A_340 = tpu.memref_slice %arg8[%dma_start3A_325, %dma_start3A_339] : memref<50x4096xi32, #tpu.memory_space<vmem_shared>> -> memref<1x4096xi32, #tpu.memory_space<vmem_shared>>
    %dma_start3A_341 = tpu.memref_squeeze %dma_start3A_340 : memref<1x4096xi32, #tpu.memory_space<vmem_shared>> -> memref<4096xi32, #tpu.memory_space<vmem_shared>>
    tpu.enqueue_dma source(%dma_start3A_341 : memref<4096xi32, #tpu.memory_space<vmem_shared>>) target(%dma_start3A_338 : memref<4096xi32, #tpu.memory_space<vmem>>) target_semaphore(%dma_start3A_335 : memref<!tpu.dma_semaphore, #tpu.memory_space<semaphore_mem>>)
    %dma_wait3A_342 = arith.constant 0 : i32
    %dma_wait3A_343 = arith.constant 0 : i32
    %dma_wait3A_344 = tpu.memref_slice %arg2[%select_n3A_283, %dma_wait3A_342, %select_n3A_299, %dma_wait3A_343] : memref<8x782x8x128xf32, #tpu.memory_space<hbm>> -> memref<1x782x1x128xf32, #tpu.memory_space<hbm>>
    %dma_wait3A_345 = tpu.memref_squeeze %dma_wait3A_344 : memref<1x782x1x128xf32, #tpu.memory_space<hbm>> -> memref<782x128xf32, #tpu.memory_space<hbm>>
    %dma_wait3A_346 = arith.constant 0 : i32
    %dma_wait3A_347 = arith.constant 0 : i32
    %dma_wait3A_348 = tpu.memref_slice %arg2[%select_n3A_283, %dma_wait3A_346, %select_n3A_299, %dma_wait3A_347] : memref<8x782x8x128xf32, #tpu.memory_space<hbm>> -> memref<1x782x1x128xf32, #tpu.memory_space<hbm>>
    %dma_wait3A_349 = tpu.memref_squeeze %dma_wait3A_348 : memref<1x782x1x128xf32, #tpu.memory_space<hbm>> -> memref<782x128xf32, #tpu.memory_space<hbm>>
    tpu.wait_dma2 semaphore(%arg9 : memref<!tpu.dma_semaphore, #tpu.memory_space<semaphore_mem>>) src(%dma_wait3A_349 : memref<782x128xf32, #tpu.memory_space<hbm>>) dst(%arg5 : memref<782x128xf32, #tpu.memory_space<vmem>>)
    %scan3A_350 = arith.constant 0 : i32
    %scan3A_351 = arith.constant 0 : i32
    %scan3A_352 = arith.constant 48 : i32
    %scan3A_353 = arith.addi %scan3A_351, %scan3A_352 : i32
    %scan3A_354 = arith.constant 1 : i32
    scf.for %scan3A_522 = %scan3A_351 to %scan3A_353 step %scan3A_354  : i32 {
      %jit3A_523 = arith.constant 2 : i32
      %eq3A_524 = arith.constant 0 : i32
      %eq3A_525 = arith.cmpi eq, %jit3A_523, %eq3A_524 : i32
      %jit3A_526 = arith.constant 1 : i32
      %select_n3A_527 = arith.select %eq3A_525, %jit3A_526, %jit3A_523 : i32
      %rem3A_528 = arith.remsi %scan3A_522, %select_n3A_527 : i32
      %ne3A_529 = arith.constant 0 : i32
      %ne3A_530 = arith.cmpi ne, %rem3A_528, %ne3A_529 : i32
      %lt3A_531 = arith.constant 0 : i32
      %lt3A_532 = arith.cmpi slt, %rem3A_528, %lt3A_531 : i32
      %lt3A_533 = arith.constant 0 : i32
      %lt3A_534 = arith.cmpi slt, %select_n3A_527, %lt3A_533 : i32
      %ne3A_535 = arith.xori %lt3A_532, %lt3A_534 : i1
      %and3A_536 = arith.andi %ne3A_535, %ne3A_530 : i1
      %add3A_537 = arith.addi %rem3A_528, %select_n3A_527 : i32
      %select_n3A_538 = arith.select %and3A_536, %add3A_537, %rem3A_528 : i32
      %dma_wait3A_539 = arith.constant 0 : i32
      %dma_wait3A_540 = tpu.memref_slice %arg6[%select_n3A_538, %dma_wait3A_539] : memref<2x4096xi32, #tpu.memory_space<vmem>> -> memref<1x4096xi32, #tpu.memory_space<vmem>>
      %dma_wait3A_541 = tpu.memref_squeeze %dma_wait3A_540 : memref<1x4096xi32, #tpu.memory_space<vmem>> -> memref<4096xi32, #tpu.memory_space<vmem>>
      %dma_wait3A_542 = arith.constant 0 : i32
      %dma_wait3A_543 = tpu.memref_slice %arg8[%scan3A_522, %dma_wait3A_542] : memref<50x4096xi32, #tpu.memory_space<vmem_shared>> -> memref<1x4096xi32, #tpu.memory_space<vmem_shared>>
      %dma_wait3A_544 = tpu.memref_squeeze %dma_wait3A_543 : memref<1x4096xi32, #tpu.memory_space<vmem_shared>> -> memref<4096xi32, #tpu.memory_space<vmem_shared>>
      %dma_wait3A_545 = tpu.memref_slice %arg10[%select_n3A_538] : memref<2x!tpu.dma_semaphore, #tpu.memory_space<semaphore_mem>> -> memref<1x!tpu.dma_semaphore, #tpu.memory_space<semaphore_mem>>
      %dma_wait3A_546 = tpu.memref_squeeze %dma_wait3A_545 : memref<1x!tpu.dma_semaphore, #tpu.memory_space<semaphore_mem>> -> memref<!tpu.dma_semaphore, #tpu.memory_space<semaphore_mem>>
      %dma_wait3A_547 = arith.constant 0 : i32
      %dma_wait3A_548 = tpu.memref_slice %arg6[%select_n3A_538, %dma_wait3A_547] : memref<2x4096xi32, #tpu.memory_space<vmem>> -> memref<1x4096xi32, #tpu.memory_space<vmem>>
      %dma_wait3A_549 = tpu.memref_squeeze %dma_wait3A_548 : memref<1x4096xi32, #tpu.memory_space<vmem>> -> memref<4096xi32, #tpu.memory_space<vmem>>
      %dma_wait3A_550 = arith.constant 0 : i32
      %dma_wait3A_551 = tpu.memref_slice %arg8[%scan3A_522, %dma_wait3A_550] : memref<50x4096xi32, #tpu.memory_space<vmem_shared>> -> memref<1x4096xi32, #tpu.memory_space<vmem_shared>>
      %dma_wait3A_552 = tpu.memref_squeeze %dma_wait3A_551 : memref<1x4096xi32, #tpu.memory_space<vmem_shared>> -> memref<4096xi32, #tpu.memory_space<vmem_shared>>
      tpu.wait_dma2 semaphore(%dma_wait3A_546 : memref<!tpu.dma_semaphore, #tpu.memory_space<semaphore_mem>>) src(%dma_wait3A_552 : memref<4096xi32, #tpu.memory_space<vmem_shared>>) dst(%dma_wait3A_549 : memref<4096xi32, #tpu.memory_space<vmem>>)
      %ge3A = arith.constant 2 : i32
      %ge3A_553 = arith.cmpi sge, %scan3A_522, %ge3A : i32
      %convert_element_type3A_554 = arith.extui %ge3A_553 : i1 to i32
      %cond3A_555 = arith.constant 0 : i32
      %cond3A_556 = arith.cmpi ne, %convert_element_type3A_554, %cond3A_555 : i32
      scf.if %cond3A_556 {
        %sub3A_594 = arith.constant 2 : i32
        %sub3A_595 = arith.subi %scan3A_522, %sub3A_594 : i32
        %dma_wait3A_596 = arith.constant 0 : i32
        %dma_wait3A_597 = arith.constant 0 : i32
        %dma_wait3A_598 = tpu.memref_slice %arg7[%select_n3A_538, %dma_wait3A_596, %dma_wait3A_597] : memref<2x32x128xf32, #tpu.memory_space<vmem>> -> memref<1x32x128xf32, #tpu.memory_space<vmem>>
        %dma_wait3A_599 = tpu.memref_squeeze %dma_wait3A_598 : memref<1x32x128xf32, #tpu.memory_space<vmem>> -> memref<32x128xf32, #tpu.memory_space<vmem>>
        %dma_wait3A_600 = arith.constant 0 : i32
        %dma_wait3A_601 = arith.constant 0 : i32
        %dma_wait3A_602 = tpu.memref_slice %arg4[%sub3A_595, %select_n3A_283, %dma_wait3A_600, %select_n3A_299, %dma_wait3A_601] : memref<50x8x32x8x128xf32, #tpu.memory_space<hbm>> -> memref<1x1x32x1x128xf32, #tpu.memory_space<hbm>>
        %dma_wait3A_603 = tpu.memref_squeeze %dma_wait3A_602 : memref<1x1x32x1x128xf32, #tpu.memory_space<hbm>> -> memref<32x128xf32, #tpu.memory_space<hbm>>
        %dma_wait3A_604 = tpu.memref_slice %arg11[%select_n3A_538] : memref<2x!tpu.dma_semaphore, #tpu.memory_space<semaphore_mem>> -> memref<1x!tpu.dma_semaphore, #tpu.memory_space<semaphore_mem>>
        %dma_wait3A_605 = tpu.memref_squeeze %dma_wait3A_604 : memref<1x!tpu.dma_semaphore, #tpu.memory_space<semaphore_mem>> -> memref<!tpu.dma_semaphore, #tpu.memory_space<semaphore_mem>>
        %dma_wait3A_606 = arith.constant 0 : i32
        %dma_wait3A_607 = arith.constant 0 : i32
        %dma_wait3A_608 = tpu.memref_slice %arg4[%sub3A_595, %select_n3A_283, %dma_wait3A_606, %select_n3A_299, %dma_wait3A_607] : memref<50x8x32x8x128xf32, #tpu.memory_space<hbm>> -> memref<1x1x32x1x128xf32, #tpu.memory_space<hbm>>
        %dma_wait3A_609 = tpu.memref_squeeze %dma_wait3A_608 : memref<1x1x32x1x128xf32, #tpu.memory_space<hbm>> -> memref<32x128xf32, #tpu.memory_space<hbm>>
        %dma_wait3A_610 = arith.constant 0 : i32
        %dma_wait3A_611 = arith.constant 0 : i32
        %dma_wait3A_612 = tpu.memref_slice %arg7[%select_n3A_538, %dma_wait3A_610, %dma_wait3A_611] : memref<2x32x128xf32, #tpu.memory_space<vmem>> -> memref<1x32x128xf32, #tpu.memory_space<vmem>>
        %dma_wait3A_613 = tpu.memref_squeeze %dma_wait3A_612 : memref<1x32x128xf32, #tpu.memory_space<vmem>> -> memref<32x128xf32, #tpu.memory_space<vmem>>
        tpu.wait_dma2 semaphore(%dma_wait3A_605 : memref<!tpu.dma_semaphore, #tpu.memory_space<semaphore_mem>>) src(%dma_wait3A_613 : memref<32x128xf32, #tpu.memory_space<vmem>>) dst(%dma_wait3A_609 : memref<32x128xf32, #tpu.memory_space<hbm>>)
      } else {
      }
      %parallel_loop3A_557 = arith.constant 0 : i32
      %parallel_loop3A_558 = arith.constant 256 : i32
      %parallel_loop3A_559 = arith.constant 1 : i32
      scf.for %parallel_loop3A_594 = %parallel_loop3A_557 to %parallel_loop3A_558 step %parallel_loop3A_559  : i32 {
        %parallel_loop3A_595 = arith.constant 16 : i32
        %parallel_loop3A_596 = arith.muli %parallel_loop3A_594, %parallel_loop3A_595 : i32
        %parallel_loop3A_597 = arith.index_cast %select_n3A_538 : i32 to index
        %parallel_loop3A_598 = arith.index_cast %parallel_loop3A_596 : i32 to index
        %parallel_loop3A_599 = tpu.vector_load %arg6[%parallel_loop3A_597, %parallel_loop3A_598] {strides = array<i32>} : memref<2x4096xi32, #tpu.memory_space<vmem>>, vector<16xi32>,
        %parallel_loop3A_600 = arith.constant 7 : i32
        %parallel_loop3A_601 = vector.broadcast %parallel_loop3A_600 : i32 to vector<16xi32>
        %parallel_loop3A_602 = arith.shrui %parallel_loop3A_599, %parallel_loop3A_601 : vector<16xi32>
        %parallel_loop3A_603 = arith.constant 127 : i32
        %parallel_loop3A_604 = vector.broadcast %parallel_loop3A_603 : i32 to vector<16xi32>
        %parallel_loop3A_605 = arith.andi %parallel_loop3A_599, %parallel_loop3A_604 : vector<16xi32>
        %parallel_loop3A_606 = tpu.vector_load_idx %arg5[%parallel_loop3A_602, %parallel_loop3A_605] : memref<782x128xf32, #tpu.memory_space<vmem>>[vector<16xi32>, vector<16xi32>], vector<16xf32>,
        %parallel_loop3A_607 = arith.constant 8 : i32
        %parallel_loop3A_608 = arith.divsi %parallel_loop3A_594, %parallel_loop3A_607 : i32
        %parallel_loop3A_609 = arith.constant 0 : i32
        %parallel_loop3A_610 = arith.cmpi sgt, %parallel_loop3A_594, %parallel_loop3A_609 : i32
        %parallel_loop3A_611 = arith.extui %parallel_loop3A_610 : i1 to i32
        %parallel_loop3A_612 = arith.constant 0 : i32
        %parallel_loop3A_613 = arith.cmpi slt, %parallel_loop3A_594, %parallel_loop3A_612 : i32
        %parallel_loop3A_614 = arith.extui %parallel_loop3A_613 : i1 to i32
        %parallel_loop3A_615 = arith.subi %parallel_loop3A_611, %parallel_loop3A_614 : i32
        %parallel_loop3A_616 = arith.constant 0 : i32
        %parallel_loop3A_617 = arith.cmpi sgt, %parallel_loop3A_607, %parallel_loop3A_616 : i32
        %parallel_loop3A_618 = arith.extui %parallel_loop3A_617 : i1 to i32
        %parallel_loop3A_619 = arith.constant 0 : i32
        %parallel_loop3A_620 = arith.cmpi slt, %parallel_loop3A_607, %parallel_loop3A_619 : i32
        %parallel_loop3A_621 = arith.extui %parallel_loop3A_620 : i1 to i32
        %parallel_loop3A_622 = arith.subi %parallel_loop3A_618, %parallel_loop3A_621 : i32
        %parallel_loop3A_623 = arith.cmpi ne, %parallel_loop3A_615, %parallel_loop3A_622 : i32
        %parallel_loop3A_624 = arith.remsi %parallel_loop3A_594, %parallel_loop3A_607 : i32
        %parallel_loop3A_625 = arith.constant 0 : i32
        %parallel_loop3A_626 = arith.cmpi ne, %parallel_loop3A_624, %parallel_loop3A_625 : i32
        %parallel_loop3A_627 = arith.andi %parallel_loop3A_623, %parallel_loop3A_626 : i1
        %parallel_loop3A_628 = arith.constant 1 : i32
        %parallel_loop3A_629 = arith.subi %parallel_loop3A_608, %parallel_loop3A_628 : i32
        %parallel_loop3A_630 = arith.select %parallel_loop3A_627, %parallel_loop3A_629, %parallel_loop3A_608 : i32
        %parallel_loop3A_631 = arith.constant 8 : i32
        %parallel_loop3A_632 = arith.constant 0 : i32
        %parallel_loop3A_633 = arith.cmpi eq, %parallel_loop3A_631, %parallel_loop3A_632 : i32
        %parallel_loop3A_634 = arith.constant 1 : i32
        %parallel_loop3A_635 = arith.select %parallel_loop3A_633, %parallel_loop3A_634, %parallel_loop3A_631 : i32
        %parallel_loop3A_636 = arith.remsi %parallel_loop3A_594, %parallel_loop3A_635 : i32
        %parallel_loop3A_637 = arith.constant 0 : i32
        %parallel_loop3A_638 = arith.cmpi ne, %parallel_loop3A_636, %parallel_loop3A_637 : i32
        %parallel_loop3A_639 = arith.constant 0 : i32
        %parallel_loop3A_640 = arith.cmpi slt, %parallel_loop3A_636, %parallel_loop3A_639 : i32
        %parallel_loop3A_641 = arith.constant 0 : i32
        %parallel_loop3A_642 = arith.cmpi slt, %parallel_loop3A_635, %parallel_loop3A_641 : i32
        %parallel_loop3A_643 = arith.xori %parallel_loop3A_640, %parallel_loop3A_642 : i1
        %parallel_loop3A_644 = arith.andi %parallel_loop3A_643, %parallel_loop3A_638 : i1
        %parallel_loop3A_645 = arith.addi %parallel_loop3A_636, %parallel_loop3A_635 : i32
        %parallel_loop3A_646 = arith.select %parallel_loop3A_644, %parallel_loop3A_645, %parallel_loop3A_636 : i32
        %parallel_loop3A_647 = arith.constant 16 : i32
        %parallel_loop3A_648 = arith.muli %parallel_loop3A_646, %parallel_loop3A_647 : i32
        %parallel_loop3A_649 = arith.index_cast %select_n3A_538 : i32 to index
        %parallel_loop3A_650 = arith.index_cast %parallel_loop3A_630 : i32 to index
        %parallel_loop3A_651 = arith.index_cast %parallel_loop3A_648 : i32 to index
        %parallel_loop3A_652 = tpu.vector_load %arg7[%parallel_loop3A_649, %parallel_loop3A_650, %parallel_loop3A_651] {strides = array<i32>} : memref<2x32x128xf32, #tpu.memory_space<vmem>>, vector<16xf32>,
        tpu.vector_store %arg7[%parallel_loop3A_649, %parallel_loop3A_650, %parallel_loop3A_651], %parallel_loop3A_606 {strides = array<i32>} : memref<2x32x128xf32, #tpu.memory_space<vmem>>, vector<16xf32>,
      } {sc.loop_unroll_factor = 8 : i64, sc.parallel_access}
      %dma_start3A_560 = arith.constant 0 : i32
      %dma_start3A_561 = arith.constant 0 : i32
      %dma_start3A_562 = tpu.memref_slice %arg7[%select_n3A_538, %dma_start3A_560, %dma_start3A_561] : memref<2x32x128xf32, #tpu.memory_space<vmem>> -> memref<1x32x128xf32, #tpu.memory_space<vmem>>
      %dma_start3A_563 = tpu.memref_squeeze %dma_start3A_562 : memref<1x32x128xf32, #tpu.memory_space<vmem>> -> memref<32x128xf32, #tpu.memory_space<vmem>>
      %dma_start3A_564 = arith.constant 0 : i32
      %dma_start3A_565 = arith.constant 0 : i32
      %dma_start3A_566 = tpu.memref_slice %arg4[%scan3A_522, %select_n3A_283, %dma_start3A_564, %select_n3A_299, %dma_start3A_565] : memref<50x8x32x8x128xf32, #tpu.memory_space<hbm>> -> memref<1x1x32x1x128xf32, #tpu.memory_space<hbm>>
      %dma_start3A_567 = tpu.memref_squeeze %dma_start3A_566 : memref<1x1x32x1x128xf32, #tpu.memory_space<hbm>> -> memref<32x128xf32, #tpu.memory_space<hbm>>
      %dma_start3A_568 = tpu.memref_slice %arg11[%select_n3A_538] : memref<2x!tpu.dma_semaphore, #tpu.memory_space<semaphore_mem>> -> memref<1x!tpu.dma_semaphore, #tpu.memory_space<semaphore_mem>>
      %dma_start3A_569 = tpu.memref_squeeze %dma_start3A_568 : memref<1x!tpu.dma_semaphore, #tpu.memory_space<semaphore_mem>> -> memref<!tpu.dma_semaphore, #tpu.memory_space<semaphore_mem>>
      %dma_start3A_570 = arith.constant 0 : i32
      %dma_start3A_571 = arith.constant 0 : i32
      %dma_start3A_572 = tpu.memref_slice %arg4[%scan3A_522, %select_n3A_283, %dma_start3A_570, %select_n3A_299, %dma_start3A_571] : memref<50x8x32x8x128xf32, #tpu.memory_space<hbm>> -> memref<1x1x32x1x128xf32, #tpu.memory_space<hbm>>
      %dma_start3A_573 = tpu.memref_squeeze %dma_start3A_572 : memref<1x1x32x1x128xf32, #tpu.memory_space<hbm>> -> memref<32x128xf32, #tpu.memory_space<hbm>>
      %dma_start3A_574 = arith.constant 0 : i32
      %dma_start3A_575 = arith.constant 0 : i32
      %dma_start3A_576 = tpu.memref_slice %arg7[%select_n3A_538, %dma_start3A_574, %dma_start3A_575] : memref<2x32x128xf32, #tpu.memory_space<vmem>> -> memref<1x32x128xf32, #tpu.memory_space<vmem>>
      %dma_start3A_577 = tpu.memref_squeeze %dma_start3A_576 : memref<1x32x128xf32, #tpu.memory_space<vmem>> -> memref<32x128xf32, #tpu.memory_space<vmem>>
      tpu.enqueue_dma source(%dma_start3A_577 : memref<32x128xf32, #tpu.memory_space<vmem>>) target(%dma_start3A_573 : memref<32x128xf32, #tpu.memory_space<hbm>>) target_semaphore(%dma_start3A_569 : memref<!tpu.dma_semaphore, #tpu.memory_space<semaphore_mem>>)
      %add3A_578 = arith.constant 2 : i32
      %add3A_579 = arith.addi %scan3A_522, %add3A_578 : i32
      %dma_start3A_580 = arith.constant 0 : i32
      %dma_start3A_581 = tpu.memref_slice %arg6[%select_n3A_538, %dma_start3A_580] : memref<2x4096xi32, #tpu.memory_space<vmem>> -> memref<1x4096xi32, #tpu.memory_space<vmem>>
      %dma_start3A_582 = tpu.memref_squeeze %dma_start3A_581 : memref<1x4096xi32, #tpu.memory_space<vmem>> -> memref<4096xi32, #tpu.memory_space<vmem>>
      %dma_start3A_583 = arith.constant 0 : i32
      %dma_start3A_584 = tpu.memref_slice %arg8[%add3A_579, %dma_start3A_583] : memref<50x4096xi32, #tpu.memory_space<vmem_shared>> -> memref<1x4096xi32, #tpu.memory_space<vmem_shared>>
      %dma_start3A_585 = tpu.memref_squeeze %dma_start3A_584 : memref<1x4096xi32, #tpu.memory_space<vmem_shared>> -> memref<4096xi32, #tpu.memory_space<vmem_shared>>
      %dma_start3A_586 = tpu.memref_slice %arg10[%select_n3A_538] : memref<2x!tpu.dma_semaphore, #tpu.memory_space<semaphore_mem>> -> memref<1x!tpu.dma_semaphore, #tpu.memory_space<semaphore_mem>>
      %dma_start3A_587 = tpu.memref_squeeze %dma_start3A_586 : memref<1x!tpu.dma_semaphore, #tpu.memory_space<semaphore_mem>> -> memref<!tpu.dma_semaphore, #tpu.memory_space<semaphore_mem>>
      %dma_start3A_588 = arith.constant 0 : i32
      %dma_start3A_589 = tpu.memref_slice %arg6[%select_n3A_538, %dma_start3A_588] : memref<2x4096xi32, #tpu.memory_space<vmem>> -> memref<1x4096xi32, #tpu.memory_space<vmem>>
      %dma_start3A_590 = tpu.memref_squeeze %dma_start3A_589 : memref<1x4096xi32, #tpu.memory_space<vmem>> -> memref<4096xi32, #tpu.memory_space<vmem>>
      %dma_start3A_591 = arith.constant 0 : i32
      %dma_start3A_592 = tpu.memref_slice %arg8[%add3A_579, %dma_start3A_591] : memref<50x4096xi32, #tpu.memory_space<vmem_shared>> -> memref<1x4096xi32, #tpu.memory_space<vmem_shared>>
      %dma_start3A_593 = tpu.memref_squeeze %dma_start3A_592 : memref<1x4096xi32, #tpu.memory_space<vmem_shared>> -> memref<4096xi32, #tpu.memory_space<vmem_shared>>
      tpu.enqueue_dma source(%dma_start3A_593 : memref<4096xi32, #tpu.memory_space<vmem_shared>>) target(%dma_start3A_590 : memref<4096xi32, #tpu.memory_space<vmem>>) target_semaphore(%dma_start3A_587 : memref<!tpu.dma_semaphore, #tpu.memory_space<semaphore_mem>>)
    }
    %scan3A_355 = arith.constant 48 : i32
    %dma_wait3A_356 = arith.constant 48 : i32
    %dma_wait3A_357 = arith.constant 0 : i32
    %dma_wait3A_358 = arith.constant 0 : i32
    %dma_wait3A_359 = arith.constant 0 : i32
    %dma_wait3A_360 = tpu.memref_slice %arg6[%dma_wait3A_357, %dma_wait3A_359] : memref<2x4096xi32, #tpu.memory_space<vmem>> -> memref<1x4096xi32, #tpu.memory_space<vmem>>
    %dma_wait3A_361 = tpu.memref_squeeze %dma_wait3A_360 : memref<1x4096xi32, #tpu.memory_space<vmem>> -> memref<4096xi32, #tpu.memory_space<vmem>>
    %dma_wait3A_362 = arith.constant 0 : i32
    %dma_wait3A_363 = tpu.memref_slice %arg8[%dma_wait3A_356, %dma_wait3A_362] : memref<50x4096xi32, #tpu.memory_space<vmem_shared>> -> memref<1x4096xi32, #tpu.memory_space<vmem_shared>>
    %dma_wait3A_364 = tpu.memref_squeeze %dma_wait3A_363 : memref<1x4096xi32, #tpu.memory_space<vmem_shared>> -> memref<4096xi32, #tpu.memory_space<vmem_shared>>
    %dma_wait3A_365 = tpu.memref_slice %arg10[%dma_wait3A_358] : memref<2x!tpu.dma_semaphore, #tpu.memory_space<semaphore_mem>> -> memref<1x!tpu.dma_semaphore, #tpu.memory_space<semaphore_mem>>
    %dma_wait3A_366 = tpu.memref_squeeze %dma_wait3A_365 : memref<1x!tpu.dma_semaphore, #tpu.memory_space<semaphore_mem>> -> memref<!tpu.dma_semaphore, #tpu.memory_space<semaphore_mem>>
    %dma_wait3A_367 = arith.constant 0 : i32
    %dma_wait3A_368 = tpu.memref_slice %arg6[%dma_wait3A_357, %dma_wait3A_367] : memref<2x4096xi32, #tpu.memory_space<vmem>> -> memref<1x4096xi32, #tpu.memory_space<vmem>>
    %dma_wait3A_369 = tpu.memref_squeeze %dma_wait3A_368 : memref<1x4096xi32, #tpu.memory_space<vmem>> -> memref<4096xi32, #tpu.memory_space<vmem>>
    %dma_wait3A_370 = arith.constant 0 : i32
    %dma_wait3A_371 = tpu.memref_slice %arg8[%dma_wait3A_356, %dma_wait3A_370] : memref<50x4096xi32, #tpu.memory_space<vmem_shared>> -> memref<1x4096xi32, #tpu.memory_space<vmem_shared>>
    %dma_wait3A_372 = tpu.memref_squeeze %dma_wait3A_371 : memref<1x4096xi32, #tpu.memory_space<vmem_shared>> -> memref<4096xi32, #tpu.memory_space<vmem_shared>>
    tpu.wait_dma2 semaphore(%dma_wait3A_366 : memref<!tpu.dma_semaphore, #tpu.memory_space<semaphore_mem>>) src(%dma_wait3A_372 : memref<4096xi32, #tpu.memory_space<vmem_shared>>) dst(%dma_wait3A_369 : memref<4096xi32, #tpu.memory_space<vmem>>)
    %dma_wait3A_373 = arith.constant 0 : i32
    %dma_wait3A_374 = arith.constant 46 : i32
    %dma_wait3A_375 = arith.constant 0 : i32
    %dma_wait3A_376 = arith.constant 0 : i32
    %dma_wait3A_377 = arith.constant 0 : i32
    %dma_wait3A_378 = tpu.memref_slice %arg7[%dma_wait3A_373, %dma_wait3A_376, %dma_wait3A_377] : memref<2x32x128xf32, #tpu.memory_space<vmem>> -> memref<1x32x128xf32, #tpu.memory_space<vmem>>
    %dma_wait3A_379 = tpu.memref_squeeze %dma_wait3A_378 : memref<1x32x128xf32, #tpu.memory_space<vmem>> -> memref<32x128xf32, #tpu.memory_space<vmem>>
    %dma_wait3A_380 = arith.constant 0 : i32
    %dma_wait3A_381 = arith.constant 0 : i32
    %dma_wait3A_382 = tpu.memref_slice %arg4[%dma_wait3A_374, %select_n3A_283, %dma_wait3A_380, %select_n3A_299, %dma_wait3A_381] : memref<50x8x32x8x128xf32, #tpu.memory_space<hbm>> -> memref<1x1x32x1x128xf32, #tpu.memory_space<hbm>>
    %dma_wait3A_383 = tpu.memref_squeeze %dma_wait3A_382 : memref<1x1x32x1x128xf32, #tpu.memory_space<hbm>> -> memref<32x128xf32, #tpu.memory_space<hbm>>
    %dma_wait3A_384 = tpu.memref_slice %arg11[%dma_wait3A_375] : memref<2x!tpu.dma_semaphore, #tpu.memory_space<semaphore_mem>> -> memref<1x!tpu.dma_semaphore, #tpu.memory_space<semaphore_mem>>
    %dma_wait3A_385 = tpu.memref_squeeze %dma_wait3A_384 : memref<1x!tpu.dma_semaphore, #tpu.memory_space<semaphore_mem>> -> memref<!tpu.dma_semaphore, #tpu.memory_space<semaphore_mem>>
    %dma_wait3A_386 = arith.constant 0 : i32
    %dma_wait3A_387 = arith.constant 0 : i32
    %dma_wait3A_388 = tpu.memref_slice %arg4[%dma_wait3A_374, %select_n3A_283, %dma_wait3A_386, %select_n3A_299, %dma_wait3A_387] : memref<50x8x32x8x128xf32, #tpu.memory_space<hbm>> -> memref<1x1x32x1x128xf32, #tpu.memory_space<hbm>>
    %dma_wait3A_389 = tpu.memref_squeeze %dma_wait3A_388 : memref<1x1x32x1x128xf32, #tpu.memory_space<hbm>> -> memref<32x128xf32, #tpu.memory_space<hbm>>
    %dma_wait3A_390 = arith.constant 0 : i32
    %dma_wait3A_391 = arith.constant 0 : i32
    %dma_wait3A_392 = tpu.memref_slice %arg7[%dma_wait3A_373, %dma_wait3A_390, %dma_wait3A_391] : memref<2x32x128xf32, #tpu.memory_space<vmem>> -> memref<1x32x128xf32, #tpu.memory_space<vmem>>
    %dma_wait3A_393 = tpu.memref_squeeze %dma_wait3A_392 : memref<1x32x128xf32, #tpu.memory_space<vmem>> -> memref<32x128xf32, #tpu.memory_space<vmem>>
    tpu.wait_dma2 semaphore(%dma_wait3A_385 : memref<!tpu.dma_semaphore, #tpu.memory_space<semaphore_mem>>) src(%dma_wait3A_393 : memref<32x128xf32, #tpu.memory_space<vmem>>) dst(%dma_wait3A_389 : memref<32x128xf32, #tpu.memory_space<hbm>>)
    %parallel_loop3A_394 = arith.constant 0 : i32
    %parallel_loop3A_395 = arith.constant 256 : i32
    %parallel_loop3A_396 = arith.constant 1 : i32
    scf.for %parallel_loop3A_522 = %parallel_loop3A_394 to %parallel_loop3A_395 step %parallel_loop3A_396  : i32 {
      %parallel_loop3A_523 = arith.constant 16 : i32
      %parallel_loop3A_524 = arith.muli %parallel_loop3A_522, %parallel_loop3A_523 : i32
      %parallel_loop3A_525 = arith.constant 0 : i32
      %parallel_loop3A_526 = arith.index_cast %parallel_loop3A_525 : i32 to index
      %parallel_loop3A_527 = arith.index_cast %parallel_loop3A_524 : i32 to index
      %parallel_loop3A_528 = tpu.vector_load %arg6[%parallel_loop3A_526, %parallel_loop3A_527] {strides = array<i32>} : memref<2x4096xi32, #tpu.memory_space<vmem>>, vector<16xi32>,
      %parallel_loop3A_529 = arith.constant 7 : i32
      %parallel_loop3A_530 = vector.broadcast %parallel_loop3A_529 : i32 to vector<16xi32>
      %parallel_loop3A_531 = arith.shrui %parallel_loop3A_528, %parallel_loop3A_530 : vector<16xi32>
      %parallel_loop3A_532 = arith.constant 127 : i32
      %parallel_loop3A_533 = vector.broadcast %parallel_loop3A_532 : i32 to vector<16xi32>
      %parallel_loop3A_534 = arith.andi %parallel_loop3A_528, %parallel_loop3A_533 : vector<16xi32>
      %parallel_loop3A_535 = tpu.vector_load_idx %arg5[%parallel_loop3A_531, %parallel_loop3A_534] : memref<782x128xf32, #tpu.memory_space<vmem>>[vector<16xi32>, vector<16xi32>], vector<16xf32>,
      %parallel_loop3A_536 = arith.constant 8 : i32
      %parallel_loop3A_537 = arith.divsi %parallel_loop3A_522, %parallel_loop3A_536 : i32
      %parallel_loop3A_538 = arith.constant 0 : i32
      %parallel_loop3A_539 = arith.cmpi sgt, %parallel_loop3A_522, %parallel_loop3A_538 : i32
      %parallel_loop3A_540 = arith.extui %parallel_loop3A_539 : i1 to i32
      %parallel_loop3A_541 = arith.constant 0 : i32
      %parallel_loop3A_542 = arith.cmpi slt, %parallel_loop3A_522, %parallel_loop3A_541 : i32
      %parallel_loop3A_543 = arith.extui %parallel_loop3A_542 : i1 to i32
      %parallel_loop3A_544 = arith.subi %parallel_loop3A_540, %parallel_loop3A_543 : i32
      %parallel_loop3A_545 = arith.constant 0 : i32
      %parallel_loop3A_546 = arith.cmpi sgt, %parallel_loop3A_536, %parallel_loop3A_545 : i32
      %parallel_loop3A_547 = arith.extui %parallel_loop3A_546 : i1 to i32
      %parallel_loop3A_548 = arith.constant 0 : i32
      %parallel_loop3A_549 = arith.cmpi slt, %parallel_loop3A_536, %parallel_loop3A_548 : i32
      %parallel_loop3A_550 = arith.extui %parallel_loop3A_549 : i1 to i32
      %parallel_loop3A_551 = arith.subi %parallel_loop3A_547, %parallel_loop3A_550 : i32
      %parallel_loop3A_552 = arith.cmpi ne, %parallel_loop3A_544, %parallel_loop3A_551 : i32
      %parallel_loop3A_553 = arith.remsi %parallel_loop3A_522, %parallel_loop3A_536 : i32
      %parallel_loop3A_554 = arith.constant 0 : i32
      %parallel_loop3A_555 = arith.cmpi ne, %parallel_loop3A_553, %parallel_loop3A_554 : i32
      %parallel_loop3A_556 = arith.andi %parallel_loop3A_552, %parallel_loop3A_555 : i1
      %parallel_loop3A_557 = arith.constant 1 : i32
      %parallel_loop3A_558 = arith.subi %parallel_loop3A_537, %parallel_loop3A_557 : i32
      %parallel_loop3A_559 = arith.select %parallel_loop3A_556, %parallel_loop3A_558, %parallel_loop3A_537 : i32
      %parallel_loop3A_560 = arith.constant 8 : i32
      %parallel_loop3A_561 = arith.constant 0 : i32
      %parallel_loop3A_562 = arith.cmpi eq, %parallel_loop3A_560, %parallel_loop3A_561 : i32
      %parallel_loop3A_563 = arith.constant 1 : i32
      %parallel_loop3A_564 = arith.select %parallel_loop3A_562, %parallel_loop3A_563, %parallel_loop3A_560 : i32
      %parallel_loop3A_565 = arith.remsi %parallel_loop3A_522, %parallel_loop3A_564 : i32
      %parallel_loop3A_566 = arith.constant 0 : i32
      %parallel_loop3A_567 = arith.cmpi ne, %parallel_loop3A_565, %parallel_loop3A_566 : i32
      %parallel_loop3A_568 = arith.constant 0 : i32
      %parallel_loop3A_569 = arith.cmpi slt, %parallel_loop3A_565, %parallel_loop3A_568 : i32
      %parallel_loop3A_570 = arith.constant 0 : i32
      %parallel_loop3A_571 = arith.cmpi slt, %parallel_loop3A_564, %parallel_loop3A_570 : i32
      %parallel_loop3A_572 = arith.xori %parallel_loop3A_569, %parallel_loop3A_571 : i1
      %parallel_loop3A_573 = arith.andi %parallel_loop3A_572, %parallel_loop3A_567 : i1
      %parallel_loop3A_574 = arith.addi %parallel_loop3A_565, %parallel_loop3A_564 : i32
      %parallel_loop3A_575 = arith.select %parallel_loop3A_573, %parallel_loop3A_574, %parallel_loop3A_565 : i32
      %parallel_loop3A_576 = arith.constant 16 : i32
      %parallel_loop3A_577 = arith.muli %parallel_loop3A_575, %parallel_loop3A_576 : i32
      %parallel_loop3A_578 = arith.constant 0 : i32
      %parallel_loop3A_579 = arith.index_cast %parallel_loop3A_578 : i32 to index
      %parallel_loop3A_580 = arith.index_cast %parallel_loop3A_559 : i32 to index
      %parallel_loop3A_581 = arith.index_cast %parallel_loop3A_577 : i32 to index
      %parallel_loop3A_582 = tpu.vector_load %arg7[%parallel_loop3A_579, %parallel_loop3A_580, %parallel_loop3A_581] {strides = array<i32>} : memref<2x32x128xf32, #tpu.memory_space<vmem>>, vector<16xf32>,
      tpu.vector_store %arg7[%parallel_loop3A_579, %parallel_loop3A_580, %parallel_loop3A_581], %parallel_loop3A_535 {strides = array<i32>} : memref<2x32x128xf32, #tpu.memory_space<vmem>>, vector<16xf32>,
    } {sc.loop_unroll_factor = 8 : i64, sc.parallel_access}
    %dma_start3A_397 = arith.constant 0 : i32
    %dma_start3A_398 = arith.constant 48 : i32
    %dma_start3A_399 = arith.constant 0 : i32
    %dma_start3A_400 = arith.constant 0 : i32
    %dma_start3A_401 = arith.constant 0 : i32
    %dma_start3A_402 = tpu.memref_slice %arg7[%dma_start3A_397, %dma_start3A_400, %dma_start3A_401] : memref<2x32x128xf32, #tpu.memory_space<vmem>> -> memref<1x32x128xf32, #tpu.memory_space<vmem>>
    %dma_start3A_403 = tpu.memref_squeeze %dma_start3A_402 : memref<1x32x128xf32, #tpu.memory_space<vmem>> -> memref<32x128xf32, #tpu.memory_space<vmem>>
    %dma_start3A_404 = arith.constant 0 : i32
    %dma_start3A_405 = arith.constant 0 : i32
    %dma_start3A_406 = tpu.memref_slice %arg4[%dma_start3A_398, %select_n3A_283, %dma_start3A_404, %select_n3A_299, %dma_start3A_405] : memref<50x8x32x8x128xf32, #tpu.memory_space<hbm>> -> memref<1x1x32x1x128xf32, #tpu.memory_space<hbm>>
    %dma_start3A_407 = tpu.memref_squeeze %dma_start3A_406 : memref<1x1x32x1x128xf32, #tpu.memory_space<hbm>> -> memref<32x128xf32, #tpu.memory_space<hbm>>
    %dma_start3A_408 = tpu.memref_slice %arg11[%dma_start3A_399] : memref<2x!tpu.dma_semaphore, #tpu.memory_space<semaphore_mem>> -> memref<1x!tpu.dma_semaphore, #tpu.memory_space<semaphore_mem>>
    %dma_start3A_409 = tpu.memref_squeeze %dma_start3A_408 : memref<1x!tpu.dma_semaphore, #tpu.memory_space<semaphore_mem>> -> memref<!tpu.dma_semaphore, #tpu.memory_space<semaphore_mem>>
    %dma_start3A_410 = arith.constant 0 : i32
    %dma_start3A_411 = arith.constant 0 : i32
    %dma_start3A_412 = tpu.memref_slice %arg4[%dma_start3A_398, %select_n3A_283, %dma_start3A_410, %select_n3A_299, %dma_start3A_411] : memref<50x8x32x8x128xf32, #tpu.memory_space<hbm>> -> memref<1x1x32x1x128xf32, #tpu.memory_space<hbm>>
    %dma_start3A_413 = tpu.memref_squeeze %dma_start3A_412 : memref<1x1x32x1x128xf32, #tpu.memory_space<hbm>> -> memref<32x128xf32, #tpu.memory_space<hbm>>
    %dma_start3A_414 = arith.constant 0 : i32
    %dma_start3A_415 = arith.constant 0 : i32
    %dma_start3A_416 = tpu.memref_slice %arg7[%dma_start3A_397, %dma_start3A_414, %dma_start3A_415] : memref<2x32x128xf32, #tpu.memory_space<vmem>> -> memref<1x32x128xf32, #tpu.memory_space<vmem>>
    %dma_start3A_417 = tpu.memref_squeeze %dma_start3A_416 : memref<1x32x128xf32, #tpu.memory_space<vmem>> -> memref<32x128xf32, #tpu.memory_space<vmem>>
    tpu.enqueue_dma source(%dma_start3A_417 : memref<32x128xf32, #tpu.memory_space<vmem>>) target(%dma_start3A_413 : memref<32x128xf32, #tpu.memory_space<hbm>>) target_semaphore(%dma_start3A_409 : memref<!tpu.dma_semaphore, #tpu.memory_space<semaphore_mem>>)
    %dma_wait3A_418 = arith.constant 49 : i32
    %dma_wait3A_419 = arith.constant 1 : i32
    %dma_wait3A_420 = arith.constant 1 : i32
    %dma_wait3A_421 = arith.constant 0 : i32
    %dma_wait3A_422 = tpu.memref_slice %arg6[%dma_wait3A_419, %dma_wait3A_421] : memref<2x4096xi32, #tpu.memory_space<vmem>> -> memref<1x4096xi32, #tpu.memory_space<vmem>>
    %dma_wait3A_423 = tpu.memref_squeeze %dma_wait3A_422 : memref<1x4096xi32, #tpu.memory_space<vmem>> -> memref<4096xi32, #tpu.memory_space<vmem>>
    %dma_wait3A_424 = arith.constant 0 : i32
    %dma_wait3A_425 = tpu.memref_slice %arg8[%dma_wait3A_418, %dma_wait3A_424] : memref<50x4096xi32, #tpu.memory_space<vmem_shared>> -> memref<1x4096xi32, #tpu.memory_space<vmem_shared>>
    %dma_wait3A_426 = tpu.memref_squeeze %dma_wait3A_425 : memref<1x4096xi32, #tpu.memory_space<vmem_shared>> -> memref<4096xi32, #tpu.memory_space<vmem_shared>>
    %dma_wait3A_427 = tpu.memref_slice %arg10[%dma_wait3A_420] : memref<2x!tpu.dma_semaphore, #tpu.memory_space<semaphore_mem>> -> memref<1x!tpu.dma_semaphore, #tpu.memory_space<semaphore_mem>>
    %dma_wait3A_428 = tpu.memref_squeeze %dma_wait3A_427 : memref<1x!tpu.dma_semaphore, #tpu.memory_space<semaphore_mem>> -> memref<!tpu.dma_semaphore, #tpu.memory_space<semaphore_mem>>
    %dma_wait3A_429 = arith.constant 0 : i32
    %dma_wait3A_430 = tpu.memref_slice %arg6[%dma_wait3A_419, %dma_wait3A_429] : memref<2x4096xi32, #tpu.memory_space<vmem>> -> memref<1x4096xi32, #tpu.memory_space<vmem>>
    %dma_wait3A_431 = tpu.memref_squeeze %dma_wait3A_430 : memref<1x4096xi32, #tpu.memory_space<vmem>> -> memref<4096xi32, #tpu.memory_space<vmem>>
    %dma_wait3A_432 = arith.constant 0 : i32
    %dma_wait3A_433 = tpu.memref_slice %arg8[%dma_wait3A_418, %dma_wait3A_432] : memref<50x4096xi32, #tpu.memory_space<vmem_shared>> -> memref<1x4096xi32, #tpu.memory_space<vmem_shared>>
    %dma_wait3A_434 = tpu.memref_squeeze %dma_wait3A_433 : memref<1x4096xi32, #tpu.memory_space<vmem_shared>> -> memref<4096xi32, #tpu.memory_space<vmem_shared>>
    tpu.wait_dma2 semaphore(%dma_wait3A_428 : memref<!tpu.dma_semaphore, #tpu.memory_space<semaphore_mem>>) src(%dma_wait3A_434 : memref<4096xi32, #tpu.memory_space<vmem_shared>>) dst(%dma_wait3A_431 : memref<4096xi32, #tpu.memory_space<vmem>>)
    %dma_wait3A_435 = arith.constant 1 : i32
    %dma_wait3A_436 = arith.constant 47 : i32
    %dma_wait3A_437 = arith.constant 1 : i32
    %dma_wait3A_438 = arith.constant 0 : i32
    %dma_wait3A_439 = arith.constant 0 : i32
    %dma_wait3A_440 = tpu.memref_slice %arg7[%dma_wait3A_435, %dma_wait3A_438, %dma_wait3A_439] : memref<2x32x128xf32, #tpu.memory_space<vmem>> -> memref<1x32x128xf32, #tpu.memory_space<vmem>>
    %dma_wait3A_441 = tpu.memref_squeeze %dma_wait3A_440 : memref<1x32x128xf32, #tpu.memory_space<vmem>> -> memref<32x128xf32, #tpu.memory_space<vmem>>
    %dma_wait3A_442 = arith.constant 0 : i32
    %dma_wait3A_443 = arith.constant 0 : i32
    %dma_wait3A_444 = tpu.memref_slice %arg4[%dma_wait3A_436, %select_n3A_283, %dma_wait3A_442, %select_n3A_299, %dma_wait3A_443] : memref<50x8x32x8x128xf32, #tpu.memory_space<hbm>> -> memref<1x1x32x1x128xf32, #tpu.memory_space<hbm>>
    %dma_wait3A_445 = tpu.memref_squeeze %dma_wait3A_444 : memref<1x1x32x1x128xf32, #tpu.memory_space<hbm>> -> memref<32x128xf32, #tpu.memory_space<hbm>>
    %dma_wait3A_446 = tpu.memref_slice %arg11[%dma_wait3A_437] : memref<2x!tpu.dma_semaphore, #tpu.memory_space<semaphore_mem>> -> memref<1x!tpu.dma_semaphore, #tpu.memory_space<semaphore_mem>>
    %dma_wait3A_447 = tpu.memref_squeeze %dma_wait3A_446 : memref<1x!tpu.dma_semaphore, #tpu.memory_space<semaphore_mem>> -> memref<!tpu.dma_semaphore, #tpu.memory_space<semaphore_mem>>
    %dma_wait3A_448 = arith.constant 0 : i32
    %dma_wait3A_449 = arith.constant 0 : i32
    %dma_wait3A_450 = tpu.memref_slice %arg4[%dma_wait3A_436, %select_n3A_283, %dma_wait3A_448, %select_n3A_299, %dma_wait3A_449] : memref<50x8x32x8x128xf32, #tpu.memory_space<hbm>> -> memref<1x1x32x1x128xf32, #tpu.memory_space<hbm>>
    %dma_wait3A_451 = tpu.memref_squeeze %dma_wait3A_450 : memref<1x1x32x1x128xf32, #tpu.memory_space<hbm>> -> memref<32x128xf32, #tpu.memory_space<hbm>>
    %dma_wait3A_452 = arith.constant 0 : i32
    %dma_wait3A_453 = arith.constant 0 : i32
    %dma_wait3A_454 = tpu.memref_slice %arg7[%dma_wait3A_435, %dma_wait3A_452, %dma_wait3A_453] : memref<2x32x128xf32, #tpu.memory_space<vmem>> -> memref<1x32x128xf32, #tpu.memory_space<vmem>>
    %dma_wait3A_455 = tpu.memref_squeeze %dma_wait3A_454 : memref<1x32x128xf32, #tpu.memory_space<vmem>> -> memref<32x128xf32, #tpu.memory_space<vmem>>
    tpu.wait_dma2 semaphore(%dma_wait3A_447 : memref<!tpu.dma_semaphore, #tpu.memory_space<semaphore_mem>>) src(%dma_wait3A_455 : memref<32x128xf32, #tpu.memory_space<vmem>>) dst(%dma_wait3A_451 : memref<32x128xf32, #tpu.memory_space<hbm>>)
    %parallel_loop3A_456 = arith.constant 0 : i32
    %parallel_loop3A_457 = arith.constant 256 : i32
    %parallel_loop3A_458 = arith.constant 1 : i32
    scf.for %parallel_loop3A_522 = %parallel_loop3A_456 to %parallel_loop3A_457 step %parallel_loop3A_458  : i32 {
      %parallel_loop3A_523 = arith.constant 16 : i32
      %parallel_loop3A_524 = arith.muli %parallel_loop3A_522, %parallel_loop3A_523 : i32
      %parallel_loop3A_525 = arith.constant 1 : i32
      %parallel_loop3A_526 = arith.index_cast %parallel_loop3A_525 : i32 to index
      %parallel_loop3A_527 = arith.index_cast %parallel_loop3A_524 : i32 to index
      %parallel_loop3A_528 = tpu.vector_load %arg6[%parallel_loop3A_526, %parallel_loop3A_527] {strides = array<i32>} : memref<2x4096xi32, #tpu.memory_space<vmem>>, vector<16xi32>,
      %parallel_loop3A_529 = arith.constant 7 : i32
      %parallel_loop3A_530 = vector.broadcast %parallel_loop3A_529 : i32 to vector<16xi32>
      %parallel_loop3A_531 = arith.shrui %parallel_loop3A_528, %parallel_loop3A_530 : vector<16xi32>
      %parallel_loop3A_532 = arith.constant 127 : i32
      %parallel_loop3A_533 = vector.broadcast %parallel_loop3A_532 : i32 to vector<16xi32>
      %parallel_loop3A_534 = arith.andi %parallel_loop3A_528, %parallel_loop3A_533 : vector<16xi32>
      %parallel_loop3A_535 = tpu.vector_load_idx %arg5[%parallel_loop3A_531, %parallel_loop3A_534] : memref<782x128xf32, #tpu.memory_space<vmem>>[vector<16xi32>, vector<16xi32>], vector<16xf32>,
      %parallel_loop3A_536 = arith.constant 8 : i32
      %parallel_loop3A_537 = arith.divsi %parallel_loop3A_522, %parallel_loop3A_536 : i32
      %parallel_loop3A_538 = arith.constant 0 : i32
      %parallel_loop3A_539 = arith.cmpi sgt, %parallel_loop3A_522, %parallel_loop3A_538 : i32
      %parallel_loop3A_540 = arith.extui %parallel_loop3A_539 : i1 to i32
      %parallel_loop3A_541 = arith.constant 0 : i32
      %parallel_loop3A_542 = arith.cmpi slt, %parallel_loop3A_522, %parallel_loop3A_541 : i32
      %parallel_loop3A_543 = arith.extui %parallel_loop3A_542 : i1 to i32
      %parallel_loop3A_544 = arith.subi %parallel_loop3A_540, %parallel_loop3A_543 : i32
      %parallel_loop3A_545 = arith.constant 0 : i32
      %parallel_loop3A_546 = arith.cmpi sgt, %parallel_loop3A_536, %parallel_loop3A_545 : i32
      %parallel_loop3A_547 = arith.extui %parallel_loop3A_546 : i1 to i32
      %parallel_loop3A_548 = arith.constant 0 : i32
      %parallel_loop3A_549 = arith.cmpi slt, %parallel_loop3A_536, %parallel_loop3A_548 : i32
      %parallel_loop3A_550 = arith.extui %parallel_loop3A_549 : i1 to i32
      %parallel_loop3A_551 = arith.subi %parallel_loop3A_547, %parallel_loop3A_550 : i32
      %parallel_loop3A_552 = arith.cmpi ne, %parallel_loop3A_544, %parallel_loop3A_551 : i32
      %parallel_loop3A_553 = arith.remsi %parallel_loop3A_522, %parallel_loop3A_536 : i32
      %parallel_loop3A_554 = arith.constant 0 : i32
      %parallel_loop3A_555 = arith.cmpi ne, %parallel_loop3A_553, %parallel_loop3A_554 : i32
      %parallel_loop3A_556 = arith.andi %parallel_loop3A_552, %parallel_loop3A_555 : i1
      %parallel_loop3A_557 = arith.constant 1 : i32
      %parallel_loop3A_558 = arith.subi %parallel_loop3A_537, %parallel_loop3A_557 : i32
      %parallel_loop3A_559 = arith.select %parallel_loop3A_556, %parallel_loop3A_558, %parallel_loop3A_537 : i32
      %parallel_loop3A_560 = arith.constant 8 : i32
      %parallel_loop3A_561 = arith.constant 0 : i32
      %parallel_loop3A_562 = arith.cmpi eq, %parallel_loop3A_560, %parallel_loop3A_561 : i32
      %parallel_loop3A_563 = arith.constant 1 : i32
      %parallel_loop3A_564 = arith.select %parallel_loop3A_562, %parallel_loop3A_563, %parallel_loop3A_560 : i32
      %parallel_loop3A_565 = arith.remsi %parallel_loop3A_522, %parallel_loop3A_564 : i32
      %parallel_loop3A_566 = arith.constant 0 : i32
      %parallel_loop3A_567 = arith.cmpi ne, %parallel_loop3A_565, %parallel_loop3A_566 : i32
      %parallel_loop3A_568 = arith.constant 0 : i32
      %parallel_loop3A_569 = arith.cmpi slt, %parallel_loop3A_565, %parallel_loop3A_568 : i32
      %parallel_loop3A_570 = arith.constant 0 : i32
      %parallel_loop3A_571 = arith.cmpi slt, %parallel_loop3A_564, %parallel_loop3A_570 : i32
      %parallel_loop3A_572 = arith.xori %parallel_loop3A_569, %parallel_loop3A_571 : i1
      %parallel_loop3A_573 = arith.andi %parallel_loop3A_572, %parallel_loop3A_567 : i1
      %parallel_loop3A_574 = arith.addi %parallel_loop3A_565, %parallel_loop3A_564 : i32
      %parallel_loop3A_575 = arith.select %parallel_loop3A_573, %parallel_loop3A_574, %parallel_loop3A_565 : i32
      %parallel_loop3A_576 = arith.constant 16 : i32
      %parallel_loop3A_577 = arith.muli %parallel_loop3A_575, %parallel_loop3A_576 : i32
      %parallel_loop3A_578 = arith.constant 1 : i32
      %parallel_loop3A_579 = arith.index_cast %parallel_loop3A_578 : i32 to index
      %parallel_loop3A_580 = arith.index_cast %parallel_loop3A_559 : i32 to index
      %parallel_loop3A_581 = arith.index_cast %parallel_loop3A_577 : i32 to index
      %parallel_loop3A_582 = tpu.vector_load %arg7[%parallel_loop3A_579, %parallel_loop3A_580, %parallel_loop3A_581] {strides = array<i32>} : memref<2x32x128xf32, #tpu.memory_space<vmem>>, vector<16xf32>,
      tpu.vector_store %arg7[%parallel_loop3A_579, %parallel_loop3A_580, %parallel_loop3A_581], %parallel_loop3A_535 {strides = array<i32>} : memref<2x32x128xf32, #tpu.memory_space<vmem>>, vector<16xf32>,
    } {sc.loop_unroll_factor = 8 : i64, sc.parallel_access}
    %dma_start3A_459 = arith.constant 1 : i32
    %dma_start3A_460 = arith.constant 49 : i32
    %dma_start3A_461 = arith.constant 1 : i32
    %dma_start3A_462 = arith.constant 0 : i32
    %dma_start3A_463 = arith.constant 0 : i32
    %dma_start3A_464 = tpu.memref_slice %arg7[%dma_start3A_459, %dma_start3A_462, %dma_start3A_463] : memref<2x32x128xf32, #tpu.memory_space<vmem>> -> memref<1x32x128xf32, #tpu.memory_space<vmem>>
    %dma_start3A_465 = tpu.memref_squeeze %dma_start3A_464 : memref<1x32x128xf32, #tpu.memory_space<vmem>> -> memref<32x128xf32, #tpu.memory_space<vmem>>
    %dma_start3A_466 = arith.constant 0 : i32
    %dma_start3A_467 = arith.constant 0 : i32
    %dma_start3A_468 = tpu.memref_slice %arg4[%dma_start3A_460, %select_n3A_283, %dma_start3A_466, %select_n3A_299, %dma_start3A_467] : memref<50x8x32x8x128xf32, #tpu.memory_space<hbm>> -> memref<1x1x32x1x128xf32, #tpu.memory_space<hbm>>
    %dma_start3A_469 = tpu.memref_squeeze %dma_start3A_468 : memref<1x1x32x1x128xf32, #tpu.memory_space<hbm>> -> memref<32x128xf32, #tpu.memory_space<hbm>>
    %dma_start3A_470 = tpu.memref_slice %arg11[%dma_start3A_461] : memref<2x!tpu.dma_semaphore, #tpu.memory_space<semaphore_mem>> -> memref<1x!tpu.dma_semaphore, #tpu.memory_space<semaphore_mem>>
    %dma_start3A_471 = tpu.memref_squeeze %dma_start3A_470 : memref<1x!tpu.dma_semaphore, #tpu.memory_space<semaphore_mem>> -> memref<!tpu.dma_semaphore, #tpu.memory_space<semaphore_mem>>
    %dma_start3A_472 = arith.constant 0 : i32
    %dma_start3A_473 = arith.constant 0 : i32
    %dma_start3A_474 = tpu.memref_slice %arg4[%dma_start3A_460, %select_n3A_283, %dma_start3A_472, %select_n3A_299, %dma_start3A_473] : memref<50x8x32x8x128xf32, #tpu.memory_space<hbm>> -> memref<1x1x32x1x128xf32, #tpu.memory_space<hbm>>
    %dma_start3A_475 = tpu.memref_squeeze %dma_start3A_474 : memref<1x1x32x1x128xf32, #tpu.memory_space<hbm>> -> memref<32x128xf32, #tpu.memory_space<hbm>>
    %dma_start3A_476 = arith.constant 0 : i32
    %dma_start3A_477 = arith.constant 0 : i32
    %dma_start3A_478 = tpu.memref_slice %arg7[%dma_start3A_459, %dma_start3A_476, %dma_start3A_477] : memref<2x32x128xf32, #tpu.memory_space<vmem>> -> memref<1x32x128xf32, #tpu.memory_space<vmem>>
    %dma_start3A_479 = tpu.memref_squeeze %dma_start3A_478 : memref<1x32x128xf32, #tpu.memory_space<vmem>> -> memref<32x128xf32, #tpu.memory_space<vmem>>
    tpu.enqueue_dma source(%dma_start3A_479 : memref<32x128xf32, #tpu.memory_space<vmem>>) target(%dma_start3A_475 : memref<32x128xf32, #tpu.memory_space<hbm>>) target_semaphore(%dma_start3A_471 : memref<!tpu.dma_semaphore, #tpu.memory_space<semaphore_mem>>)
    %dma_wait3A_480 = arith.constant 0 : i32
    %dma_wait3A_481 = arith.constant 48 : i32
    %dma_wait3A_482 = arith.constant 0 : i32
    %dma_wait3A_483 = arith.constant 0 : i32
    %dma_wait3A_484 = arith.constant 0 : i32
    %dma_wait3A_485 = tpu.memref_slice %arg7[%dma_wait3A_480, %dma_wait3A_483, %dma_wait3A_484] : memref<2x32x128xf32, #tpu.memory_space<vmem>> -> memref<1x32x128xf32, #tpu.memory_space<vmem>>
    %dma_wait3A_486 = tpu.memref_squeeze %dma_wait3A_485 : memref<1x32x128xf32, #tpu.memory_space<vmem>> -> memref<32x128xf32, #tpu.memory_space<vmem>>
    %dma_wait3A_487 = arith.constant 0 : i32
    %dma_wait3A_488 = arith.constant 0 : i32
    %dma_wait3A_489 = tpu.memref_slice %arg4[%dma_wait3A_481, %select_n3A_283, %dma_wait3A_487, %select_n3A_299, %dma_wait3A_488] : memref<50x8x32x8x128xf32, #tpu.memory_space<hbm>> -> memref<1x1x32x1x128xf32, #tpu.memory_space<hbm>>
    %dma_wait3A_490 = tpu.memref_squeeze %dma_wait3A_489 : memref<1x1x32x1x128xf32, #tpu.memory_space<hbm>> -> memref<32x128xf32, #tpu.memory_space<hbm>>
    %dma_wait3A_491 = tpu.memref_slice %arg11[%dma_wait3A_482] : memref<2x!tpu.dma_semaphore, #tpu.memory_space<semaphore_mem>> -> memref<1x!tpu.dma_semaphore, #tpu.memory_space<semaphore_mem>>
    %dma_wait3A_492 = tpu.memref_squeeze %dma_wait3A_491 : memref<1x!tpu.dma_semaphore, #tpu.memory_space<semaphore_mem>> -> memref<!tpu.dma_semaphore, #tpu.memory_space<semaphore_mem>>
    %dma_wait3A_493 = arith.constant 0 : i32
    %dma_wait3A_494 = arith.constant 0 : i32
    %dma_wait3A_495 = tpu.memref_slice %arg4[%dma_wait3A_481, %select_n3A_283, %dma_wait3A_493, %select_n3A_299, %dma_wait3A_494] : memref<50x8x32x8x128xf32, #tpu.memory_space<hbm>> -> memref<1x1x32x1x128xf32, #tpu.memory_space<hbm>>
    %dma_wait3A_496 = tpu.memref_squeeze %dma_wait3A_495 : memref<1x1x32x1x128xf32, #tpu.memory_space<hbm>> -> memref<32x128xf32, #tpu.memory_space<hbm>>
    %dma_wait3A_497 = arith.constant 0 : i32
    %dma_wait3A_498 = arith.constant 0 : i32
    %dma_wait3A_499 = tpu.memref_slice %arg7[%dma_wait3A_480, %dma_wait3A_497, %dma_wait3A_498] : memref<2x32x128xf32, #tpu.memory_space<vmem>> -> memref<1x32x128xf32, #tpu.memory_space<vmem>>
    %dma_wait3A_500 = tpu.memref_squeeze %dma_wait3A_499 : memref<1x32x128xf32, #tpu.memory_space<vmem>> -> memref<32x128xf32, #tpu.memory_space<vmem>>
    tpu.wait_dma2 semaphore(%dma_wait3A_492 : memref<!tpu.dma_semaphore, #tpu.memory_space<semaphore_mem>>) src(%dma_wait3A_500 : memref<32x128xf32, #tpu.memory_space<vmem>>) dst(%dma_wait3A_496 : memref<32x128xf32, #tpu.memory_space<hbm>>)
    %dma_wait3A_501 = arith.constant 1 : i32
    %dma_wait3A_502 = arith.constant 49 : i32
    %dma_wait3A_503 = arith.constant 1 : i32
    %dma_wait3A_504 = arith.constant 0 : i32
    %dma_wait3A_505 = arith.constant 0 : i32
    %dma_wait3A_506 = tpu.memref_slice %arg7[%dma_wait3A_501, %dma_wait3A_504, %dma_wait3A_505] : memref<2x32x128xf32, #tpu.memory_space<vmem>> -> memref<1x32x128xf32, #tpu.memory_space<vmem>>
    %dma_wait3A_507 = tpu.memref_squeeze %dma_wait3A_506 : memref<1x32x128xf32, #tpu.memory_space<vmem>> -> memref<32x128xf32, #tpu.memory_space<vmem>>
    %dma_wait3A_508 = arith.constant 0 : i32
    %dma_wait3A_509 = arith.constant 0 : i32
    %dma_wait3A_510 = tpu.memref_slice %arg4[%dma_wait3A_502, %select_n3A_283, %dma_wait3A_508, %select_n3A_299, %dma_wait3A_509] : memref<50x8x32x8x128xf32, #tpu.memory_space<hbm>> -> memref<1x1x32x1x128xf32, #tpu.memory_space<hbm>>
    %dma_wait3A_511 = tpu.memref_squeeze %dma_wait3A_510 : memref<1x1x32x1x128xf32, #tpu.memory_space<hbm>> -> memref<32x128xf32, #tpu.memory_space<hbm>>
    %dma_wait3A_512 = tpu.memref_slice %arg11[%dma_wait3A_503] : memref<2x!tpu.dma_semaphore, #tpu.memory_space<semaphore_mem>> -> memref<1x!tpu.dma_semaphore, #tpu.memory_space<semaphore_mem>>
    %dma_wait3A_513 = tpu.memref_squeeze %dma_wait3A_512 : memref<1x!tpu.dma_semaphore, #tpu.memory_space<semaphore_mem>> -> memref<!tpu.dma_semaphore, #tpu.memory_space<semaphore_mem>>
    %dma_wait3A_514 = arith.constant 0 : i32
    %dma_wait3A_515 = arith.constant 0 : i32
    %dma_wait3A_516 = tpu.memref_slice %arg4[%dma_wait3A_502, %select_n3A_283, %dma_wait3A_514, %select_n3A_299, %dma_wait3A_515] : memref<50x8x32x8x128xf32, #tpu.memory_space<hbm>> -> memref<1x1x32x1x128xf32, #tpu.memory_space<hbm>>
    %dma_wait3A_517 = tpu.memref_squeeze %dma_wait3A_516 : memref<1x1x32x1x128xf32, #tpu.memory_space<hbm>> -> memref<32x128xf32, #tpu.memory_space<hbm>>
    %dma_wait3A_518 = arith.constant 0 : i32
    %dma_wait3A_519 = arith.constant 0 : i32
    %dma_wait3A_520 = tpu.memref_slice %arg7[%dma_wait3A_501, %dma_wait3A_518, %dma_wait3A_519] : memref<2x32x128xf32, #tpu.memory_space<vmem>> -> memref<1x32x128xf32, #tpu.memory_space<vmem>>
    %dma_wait3A_521 = tpu.memref_squeeze %dma_wait3A_520 : memref<1x32x128xf32, #tpu.memory_space<vmem>> -> memref<32x128xf32, #tpu.memory_space<vmem>>
    tpu.wait_dma2 semaphore(%dma_wait3A_513 : memref<!tpu.dma_semaphore, #tpu.memory_space<semaphore_mem>>) src(%dma_wait3A_521 : memref<32x128xf32, #tpu.memory_space<vmem>>) dst(%dma_wait3A_517 : memref<32x128xf32, #tpu.memory_space<hbm>>)
    return
  }
}

</mosaic_0001>

<sc_bundles>
// kernel: _sc_embed.3.cloned.1.call-start
scs
__scs_entry_jumppad:
0x0: {  	(pc) =	sbr.rel $0x88, $3  }
0x1: {  	(tag) =	ssettag $0x0;
	lr =	simm.s32 $0x1  }
0x2: {  	[smem:$0x3F9F] =	sst lr;
	_ =	strace $0xD0000000  }
0x3: {  	_ = 	snop  }
0x4: {  	_ = 	snop  }
0x5: {  	_ = 	snop  }
0x6: {  	_ = 	snop  }
0x7: {  	_ = 	snop  }
__scs_overlays_trampoline_lowered:
0x8: {  	[smem:$0x3FAE] =	sst s0  }
0x9: {  	[smem:$0x3FAF] =	sst s1  }
0xa: {  	[smem:$0x3FB0] =	sst s2  }
0xb: {  	[smem:$0x3FB1] =	sst s3  }
0xc: {  	[smem:$0x3FB2] =	sst s4  }
0xd: {  	[smem:$0x3FB3] =	sst s5  }
0xe: {  	[smem:$0x3FB4] =	sst s6  }
0xf: {  	[smem:$0x3FB5] =	sst s7  }
0x10: {  	[smem:$0x3FB6] =	sst s8  }
0x11: {  	[smem:$0x3FB7] =	sst s9;
	s0 =	simm.s32 @!p0 $0x0  }
0x12: {  	s1 =	sld [smem:$0x3F9D];
	s0 =	simm.s32 @p0 $0x1  }
0x13: {  	[smem:$0x3FB8] =	sst s0;
	s0 =	simm.s32 @!p1 $0x0  }
0x14: {  	s2 =	sld [smem:$0x3F9C];
	s0 =	simm.s32 @p1 $0x1  }
0x15: {  	[smem:$0x3FB9] =	sst s0;
	s0 =	simm.s32 @!p2 $0x0  }
0x16: {  	s3 =	sld [smem:$0x3FDB];
	s0 =	simm.s32 @p2 $0x1  }
0x17: {  	s4 =	simm.s32 $0x1BF5;
	[smem:$0x3FBB] =	sst s0  }
0x18: {  	s0 =	sld [smem:$0x3F9E];
	_ =	swait.ge [sflag:s4], $0x0  }
0x19: {  	s7 =	sld [smem:$0x3F9F]  }
0x1a: {  	s8 =	sadd.s32 $0xFFFFE003, lr  }
0x1b: {  	s9 =	sadd.s32 $0xFFFFFEF7, lr;
	s5 =	simm.s32 $0xFFFFFFFF;
	p2 =	slt.u32 s8, $0xFFFFF086  }
0x1c: {  	p1 =	slt.u32 s9, $0xF7A;
	s5 =	simm.s32 @!p2 $0x0  }
0x1d: {  	s5 =	simm.s32 @p1 $0x1;
	p0 =	seq.s32 s7, s2  }
0x1e: {  	s7 =	smul.u32 @!p0 $0xF7A, s2;
	p2 =	seq.s32 @!p0 s5, $0x0  }
0x1f: {  	s9 =	smul.u32 $0xF7A, s1;
	s8 =	simm.s32 @!p0 $0x1BF5;
	p2 =	por !p2, p0  }
0x20: {  	[sflag:s8] =	ssyncset.s32 @!p0 $0xFFFFF086;
	s6 =	sadd.s32 @!p0 s3, s7;
	s7 =	simm.s32 @!p0 $0x108  }
0x21: {  	s3 =	sadd.s32 s3, s9;
	s6 =	sadd.s32 @!p0 $0x88, s6;
	s7 =	simm.s32 @p2 $0x1082  }
0x22: {  	[simem:s7], [sflag:s8] =	dma.local @!p0 [hbm:s6], $0xF7A  }
0x23: {  	s9 =	sor.u32 $0xD0000000, s2;
	s6 =	simm.s32 $0x108;
	_ =	swait.ge @!p0 [sflag:s8], $0x0  }
0x24: {  	s3 =	sadd.s32 $0x88, s3;
	s6 =	simm.s32 @!p1 $0x1082;
	[sflag:s4] =	ssyncset.s32 $0xFFFFF086  }
0x25: {  	[simem:s6], [sflag:s4] =	dma.local [hbm:s3], $0xF7A  }
0x26: {  	[smem:$0x3F9F] =	sst s1;
	(tag) =	ssettag s2;
	_ =	strace s9  }
0x27: {  	s1 =	sld [smem:$0x3FAF]  }
0x28: {  	s2 =	sld [smem:$0x3FB0]  }
0x29: {  	s4 =	sld [smem:$0x3FB2]  }
0x2a: {  	p0 =	seq.s32 s5, $0x0;
	s5 =	sld [smem:$0x3FB3]  }
0x2b: {  	s6 =	sld [smem:$0x3FB4]  }
0x2c: {  	s7 =	sld [smem:$0x3FB5]  }
0x2d: {  	s3 =	simm.s32 $0x108;
	s8 =	sld [smem:$0x3FB6]  }
0x2e: {  	s3 =	simm.s32 @!p0 $0x1082;
	s9 =	sld [smem:$0x3FB7]  }
0x2f: {  	lr =	sadd.s32 s0, s3;
	s0 =	sld [smem:$0x3FAE]  }
0x30: {  	s3 =	sld [smem:$0x3FB1]  }
0x31: {  	[smem:$0x3FBA] =	sst s10  }
0x32: {  	s10 =	sld [smem:$0x3FB8];
	_ =	sdelay $0x3  }
0x33: {  	p0 =	seq.s32 s10, $0x1;
	s10 =	sld [smem:$0x3FBA];
	_ =	sdelay $0x3  }
0x34: {  	[smem:$0x3FBA] =	sst s10  }
0x35: {  	s10 =	sld [smem:$0x3FB9];
	_ =	sdelay $0x3  }
0x36: {  	p1 =	seq.s32 s10, $0x1;
	s10 =	sld [smem:$0x3FBA];
	_ =	sdelay $0x3  }
0x37: {  	[smem:$0x3FBA] =	sst s10  }
0x38: {  	s10 =	sld [smem:$0x3FBB]  }
0x39: {  	_ = 	snop;
	(pc) =	sbr.ind lr, $3  }
0x3a: {  	_ = 	snop  }
0x3b: {  	_ = 	snop  }
0x3c: {  	p2 =	seq.s32 s10, $0x1;
	s10 =	sld [smem:$0x3FBA]  }
0x3d: {  	_ =	shalt  }
0x3e: {  	_ =	shalt  }
0x3f: {  	_ =	shalt  }
0x40: {  	_ =	shalt  }
0x41: {  	_ =	shalt  }
0x42: {  	_ =	shalt  }
0x43: {  	_ =	shalt  }
0x44: {  	_ =	shalt  }
0x45: {  	_ =	shalt  }
0x46: {  	_ =	shalt  }
0x47: {  	_ =	shalt  }
0x48: {  	_ =	shalt  }
0x49: {  	_ =	shalt  }
0x4a: {  	_ =	shalt  }
0x4b: {  	_ =	shalt  }
0x4c: {  	_ =	shalt  }
0x4d: {  	_ =	shalt  }
0x4e: {  	_ =	shalt  }
0x4f: {  	_ =	shalt  }
0x50: {  	_ =	shalt  }
0x51: {  	_ =	shalt  }
0x52: {  	_ =	shalt  }
0x53: {  	_ =	shalt  }
0x54: {  	_ =	shalt  }
0x55: {  	_ =	shalt  }
0x56: {  	_ =	shalt  }
0x57: {  	_ =	shalt  }
0x58: {  	_ =	shalt  }
0x59: {  	_ =	shalt  }
0x5a: {  	_ =	shalt  }
0x5b: {  	_ =	shalt  }
0x5c: {  	_ =	shalt  }
0x5d: {  	_ =	shalt  }
0x5e: {  	_ =	shalt  }
0x5f: {  	_ =	shalt  }
0x60: {  	_ =	shalt  }
0x61: {  	_ =	shalt  }
0x62: {  	_ =	shalt  }
0x63: {  	_ =	shalt  }
0x64: {  	_ =	shalt  }
0x65: {  	_ =	shalt  }
0x66: {  	_ =	shalt  }
0x67: {  	_ =	shalt  }
0x68: {  	_ =	shalt  }
0x69: {  	_ =	shalt  }
0x6a: {  	_ =	shalt  }
0x6b: {  	_ =	shalt  }
0x6c: {  	_ =	shalt  }
0x6d: {  	_ =	shalt  }
0x6e: {  	_ =	shalt  }
0x6f: {  	_ =	shalt  }
0x70: {  	_ =	shalt  }
0x71: {  	_ =	shalt  }
0x72: {  	_ =	shalt  }
0x73: {  	_ =	shalt  }
0x74: {  	_ =	shalt  }
0x75: {  	_ =	shalt  }
0x76: {  	_ =	shalt  }
0x77: {  	_ =	shalt  }
0x78: {  	_ =	shalt  }
0x79: {  	_ =	shalt  }
0x7a: {  	_ =	shalt  }
0x7b: {  	_ =	shalt  }
0x7c: {  	_ =	shalt  }
0x7d: {  	_ =	shalt  }
0x7e: {  	_ =	shalt  }
0x7f: {  	_ =	shalt  }
0x80: {  	_ =	shalt  }
0x81: {  	_ =	shalt  }
0x82: {  	_ =	shalt  }
0x83: {  	_ =	shalt  }
0x84: {  	_ =	shalt  }
0x85: {  	_ =	shalt  }
0x86: {  	_ =	shalt  }
0x87: {  	_ =	shalt  }
.Lfunc_end0:
.L_simem_size_0:
called_computation_lowered:
.L_overlay_start_0:
0x88: {  	s2 =	sld [smem:$0x3FD9]  }
0x89: {  	s3 =	sld [smem:$0x3FFE];
	_ =	sdelay $0x1  }
0x8a: {  	s1 =	srdreg.scid  }
0x8b: {  	s0 =	sand.u32 $0x1, s1  }
0x8c: {  	s17 =	sshll.u32 s0, $0xA;
	s2 =	sadd.s32 s3, s2  }
0x8d: {  	s2 =	sadd.s32 s2, s17  }
0x8e: {  	[smem:$0x3FC6] =	sst s2  }
0x8f: {  	_ = 	snop  }
0x90: {  	s2 =	sld [smem:$0x3FC9]  }
0x91: {  	s18 =	sld [smem:$0x3FD0];
	(tm) =	ssettm $0x1  }
0x92: {  	s4 =	sld [smem:$0x3FFB];
	_ =	sdelay $0x3  }
0x93: {  	_ =	strace s4  }
0x94: {  	s4 =	sld [smem:$0x3FFC];
	_ =	sdelay $0x3  }
0x95: {  	_ =	strace s4  }
0x96: {  	s4 =	sld [smem:$0x3FFD];
	_ =	sdelay $0x3  }
0x97: {  	_ =	strace s4  }
0x98: {  	_ =	strace $0x8FFFFFFF  }
0x99: {  	s19 =	sld [smem:$0x3FDB];
	_ =	sdelay $0x1  }
0x9a: {  	s5 =	simm.s32 $_scs_section_size  }
0x9b: {  	s6 =	simm.s32 $_size__tile_overlayer_lowered;
	s7 =	simm.s32 $_tile_overlayer_lowered  }
0x9c: {  	s22 =	simm.s32 $0x1BFF;
	s21 =	sshll.u32 s7, $0x1;
	s4 =	sadd.s32 s5, s19  }
0x9d: {  	s8 =	simm.s32 $0x0;
	s20 =	sshll.u32 s6, $0x1;
	s6 =	sadd.s32 s21, s4  }
0x9e: {  	[timem:s8], [sflag:s22] =	dma.local [hbm:s6], s20  }
0x9f: {  	_ =	swait.ge [sflag:s22], s20  }
0xa0: {  	s5 =	ssub.s32 $0x0, s20;
	[sflag:s22] =	ssyncset.done $0x0  }
0xa1: {  	[sflag:s22] =	ssyncadd.s32 s5;
	_ =	sdelay $0x1  }
0xa2: {  	s23 =	simm.s32 $0x1B8B  }
0xa3: {  	_ =	swait.ge [sflag:s23], $0x1  }
0xa4: {  	[sflag:s23] =	ssyncset.done $0x0  }
0xa5: {  	s25 =	simm.s32 $0x1B8E;
	s24 =	sld [smem:$0x3FFE];
	[sflag:s23] =	ssyncadd.s32 $0xFFFFFFFF  }
0xa6: {  	s26 =	simm.s32 $execute0_lowered;
	[smem:$0x3FD2] =	sst s25  }
0xa7: {  	s6 =	sshll.u32 s26, $0x1;
	_ =	strace $0x80000046;
	[dreg:$0x1] =	wrdreg $0xFFFFFFFF  }
0xa8: {  	s28 =	simm.s32 $_size_execute0_lowered;
	s4 =	sadd.s32 s4, s6;
	[dreg:$0x0] =	wrdreg $0x0  }
0xa9: {  	s6 =	sshll.u32 s28, $0x1;
	[dreg:$0x2] =	wrdreg s4  }
0xaa: {  	[dreg:$0x3] =	wrdreg s6  }
0xab: {  	[dreg:$0x4] =	wrdreg $0xC0  }
0xac: {  	_ =	task [dreg:s8], $0x5FFFF  }
0xad: {  	[dreg:$0x1] =	wrdreg $0xFFFFFFFF  }
0xae: {  	[dreg:$0x0] =	wrdreg $0x60  }
0xaf: {  	[dreg:$0x2] =	wrdreg s2  }
0xb0: {  	[dreg:$0x3] =	wrdreg s24  }
0xb1: {  	[dreg:$0x4] =	wrdreg s18  }
0xb2: {  	[dreg:$0x5] =	wrdreg $0x1C7000  }
0xb3: {  	[dreg:$0x6] =	wrdreg $0x9  }
0xb4: {  	_ =	task.clear_ibuf [dreg:s8], $0x7FFFF;
	_ =	strace $0x90000046  }
0xb5: {  	s29 =	simm.s32 $0x9;
	_ =	strace $0x80000048  }
0xb6: {  	_ =	swait.ge [sflag:s29], $0x1  }
0xb7: {  	[sflag:s29] =	ssyncadd.s32 $0xFFFFFFFF  }
0xb8: {  	_ =	strace $0x90000048  }
0xb9: {  	_ =	sfence  }
0xba: {  	s30 =	sld [smem:$0x0];
	_ =	sdelay $0x2  }
0xbb: {  	s31 =	sshll.u32 s1, $0xD;
	s1 =	sshrl.u32 s1, $0x2  }
0xbc: {  	s3 =	sand.u32 $0x4000, s31;
	s1 =	sadd.s32 s1, s30  }
0xbd: {  	s0 =	sor.u32 s3, s0;
	s1 =	sshll.u32 s1, $0x11  }
0xbe: {  	s0 =	sor.u32 s1, s0  }
0xbf: {  	s0 =	sadd.s32 $0x8F2B, s0  }
0xc0: {  	[sflag:s0] =	ssyncadd.remote.s32 $0x1  }
0xc1: {  	_ =	sfence.sel $0xFFFF  }
0xc2: {  	[dreg:$0x0] =	wrdreg $0xFFFFFFFF;
	(pc) =	sbr.abs _section_cstart, $3  }
0xc3: {  	[dreg:$0x1] =	wrdreg $0xFFFFFFFF  }
0xc4: {  	_ =	task.clear_ibuf [dreg:s8], $0x2FFFF;
	_ =	strace $0x9FFFFFFF  }
0xc5: {  	(tm) =	ssettm $0x7FFFFFFF  }
tec
execute0_lowered:
.L_overlay_start_1:
0x0: {  	(tag) =	ssettag $0x1  }
0x1: {  	s0 =	rddreg [dreg:$0x0]  }
0x2: {  	s4 =	rddreg [dreg:$0x1]  }
0x3: {  	s1 =	rddreg [dreg:$0x2]  }
0x4: {  	s2 =	rddreg [dreg:$0x3]  }
0x5: {  	s3 =	simm.s32 $0x0;
	s5 =	srdreg.scid;
	s6 =	stileid.u32  }
0x6: {  	s16 =	simm.s32 $0x80;
	s17 =	simm.s32 $0x400;
	s18 =	simm.s32 $0x18700  }
0x7: {  	s19 =	simm.s32 $0x19700;
	s20 =	simm.s32 $0x1;
	s21 =	simm.s32 $0x2  }
0x8: {  	s22 =	simm.s32 $0x4;
	s23 =	simm.s32 $0x1A700;
	s24 =	simm.s32 $0x3  }
0x9: {  	s28 =	simm.s32 $0x0;
	[smem:$0x7FF] =	sst s3;
	s5 =	sand.u32 $0x1, s5  }
0xa: {  	s7 =	sshll.u32 s6, $0x9;
	s8 =	sshrl.u32 s6, $0x1;
	s4 =	sadd.s32 $0x400, s4  }
0xb: {  	s12 =	sadd.s32 $0x180000, s1;
	s26 =	sadd.s32 $0x188000, s1;
	p0 =	sne.s32 s6, $0x0  }
0xc: {  	_ =	strace $0x80000047;
	s9 =	sshll.u32 s5, $0x8;
	s7 =	sand.u32 $0x200, s7  }
0xd: {  	s10 =	smul.u32 $0xC3800, s8;
	[dreg:$0x5] =	wrdreg s4;
	s25 =	ssub.s32 $0x2, s5  }
0xe: {  	s8 =	sshll.u32 s8, $0xF;
	s9 =	sor.u32 s9, s7;
	s5 =	sshrl.u32 s25, $0x1  }
0xf: {  	s15 =	sshrl.u32 @!p0 s2, $0x3;
	s7 =	sor.u32 s10, s9;
	s4 =	ssub.s32 s25, s5  }
0x10: {  	s5 =	sor.u32 s8, s9;
	s9 =	sor.u32 $0x80, s9;
	s25 =	simm.s32 $0x5  }
0x11: {  	s7 =	sshrl.u32 s7, $0x3;
	s11 =	sshrl.u32 s5, $0x3;
	s10 =	sor.u32 s10, s9  }
0x12: {  	s9 =	sor.u32 s8, s9;
	s14 =	smax.u32 s4, $0x1;
	s7 =	sadd.s32 s0, s7  }
0x13: {  	s13 =	sadd.s32 s11, s12;
	s29 =	sadd.s32 s11, s26;
	[dreg:$0x6] =	wrdreg s7  }
0x14: {  	s30 =	sshrl.u32 s10, $0x3;
	s31 =	sshrl.u32 s9, $0x3;
	[dreg:$0x7] =	wrdreg s13  }
0x15: {  	s7 =	sadd.s32 $0x1000, s2;
	[dreg:$0x8] =	wrdreg s29;
	s11 =	sadd.s32 s0, s30  }
0x16: {  	s12 =	sadd.s32 s31, s12;
	s13 =	sadd.s32 s31, s26;
	s26 =	simm.s32 $0x1B700  }
.LBB2_1:
0x17: {  	s0 =	simm.s32 @!p0 $0x1C06;
	s4 =	rddreg [dreg:$0x5]  }
0x18: {  	[spmem:s15], [sflag:s0] =	dma.local @!p0 [hbm:s4], $0x6400  }
0x19: {  	s0 =	simm.s32 @!p0 $0x6  }
0x1a: {  	_ =	swait.ge @!p0 [sflag:s0], $0x6400  }
0x1b: {  	[sflag:s0] =	ssyncset.done @!p0 $0x0  }
0x1c: {  	[sflag:s0] =	ssyncadd.s32 @!p0 $0xFFFF9C00  }
0x1d: {  	[bflag:$0x0] =	sbarrier.arrive $0xFFFF  }
0x1e: {  	s31 =	rddreg [dreg:$0x6]  }
0x1f: {  	[tilespmem:s3], [sflag:$0x1] =	stream.strided.gather [hbm4b:s31+s16], $0x18700, s17, s16, $0x38;
	[tilespmem:$0x1F900] =	vst v63  }
0x20: {  	_ = 	snop  }
0x21: {  	[tilespmem:s18], [sflag:$0x2] =	stream.linear.gather [spmem:s2], $0x1000, $0x38;
	[tilespmem:$0x1F900] =	vst v63  }
0x22: {  	_ = 	snop  }
0x23: {  	[tilespmem:s19], [sflag:$0x3] =	stream.linear.gather [spmem:s7], $0x1000, $0x38;
	[tilespmem:$0x1F900] =	vst v63  }
0x24: {  	_ =	swait.ge [sflag:s20], $0x18700  }
0x25: {  	[sflag:s20] =	ssyncset.done $0x0  }
0x26: {  	p1 =	por $0x0, $0x0;
	s29 =	simm.s32 $0x0;
	[sflag:s20] =	ssyncadd.s32 $0xFFFE7900  }
.LBB2_2:
0x27: {  	s31 =	sand.u32 $0x1, s29  }
0x28: {  	s30 =	sor.u32 $0x2, s31  }
0x29: {  	_ =	swait.ge [sflag:s30], $0x1000  }
0x2a: {  	p2 =	slt.u32 s29, $0x2;
	[sflag:s30] =	ssyncset.done $0x0  }
0x2b: {  	s0 =	simm.s32 $0x1;
	s4 =	sor.u32 @!p2 $0x4, s31;
	[sflag:s30] =	ssyncadd.s32 $0xFFFFF000  }
0x2c: {  	s0 =	simm.s32 @!p1 $0x0;
	_ =	swait.ge @!p2 [sflag:s4], $0x1000  }
0x2d: {  	s0 =	sshll.u32 s0, $0xC;
	[sflag:s4] =	ssyncset.done @!p2 $0x0  }
0x2e: {  	s10 =	sor.u32 $0x18740, s0;
	[sflag:s4] =	ssyncadd.s32 @!p2 $0xFFFFF000  }
0x2f: {  	v0 =	vld [tilespmem:s10+$0x30]  }
0x30: {  	v1 =	vld [tilespmem:s10+$0xFFFFFFD0]  }
0x31: {  	v2 =	vld [tilespmem:s10+$0xFFFFFFE0]  }
0x32: {  	v3 =	vld [tilespmem:s10+$0xFFFFFFF0]  }
0x33: {  	v4 =	vld [tilespmem:s10+$0x0]  }
0x34: {  	v6 =	vld [tilespmem:s10+$0x10]  }
0x35: {  	v7 =	vld [tilespmem:s10+$0x20]  }
0x36: {  	v8 =	vld [tilespmem:s10+$0xFFFFFFC0]  }
0x37: {  	v9 =	vld.idx.msk [tilespmem:v0+s3+$0x0], $0xffff  }
0x38: {  	v10 =	vld.idx.msk [tilespmem:v1+s3+$0x0], $0xffff  }
0x39: {  	v5 =	vld.idx.msk [tilespmem:v2+s3+$0x0], $0xffff  }
0x3a: {  	v3 =	vld.idx.msk [tilespmem:v3+s3+$0x0], $0xffff  }
0x3b: {  	v0 =	vld.idx.msk [tilespmem:v4+s3+$0x0], $0xffff  }
0x3c: {  	s4 =	sor.u32 $0x1A740, s0;
	v1 =	vld.idx.msk [tilespmem:v6+s3+$0x0], $0xffff  }
0x3d: {  	s8 =	simm.s32 $0x0;
	s6 =	sshll.u32 s31, $0xC;
	v2 =	vld.idx.msk [tilespmem:v7+s3+$0x0], $0xffff;
	[tilespmem:s4+$0x30] =	vst v9  }
0x3e: {  	s0 =	sor.u32 $0x18700, s6;
	s6 =	sadd.s32 $0x1A700, s6;
	s10 =	sadd.s32 $0x80, s10;
	v4 =	vld.idx.msk [tilespmem:v8+s3+$0x0], $0xffff;
	[tilespmem:s4+$0xFFFFFFD0] =	vst v10  }
.LBB2_3:
0x3f: {  	v6 =	vld [tilespmem:s10+$0x30];
	s8 =	sadd.s32 $0x8, s8;
	[tilespmem:s4+$0xFFFFFFE0] =	vst v5  }
0x40: {  	v5 =	vld [tilespmem:s10+$0xFFFFFFD0];
	p2 =	slt.u32 s8, $0xF8;
	[tilespmem:s4+$0xFFFFFFF0] =	vst v3  }
0x41: {  	v3 =	vld [tilespmem:s10+$0xFFFFFFE0];
	[tilespmem:s4+$0x0] =	vst v0  }
0x42: {  	v0 =	vld [tilespmem:s10+$0xFFFFFFF0];
	[tilespmem:s4+$0x10] =	vst v1  }
0x43: {  	v1 =	vld [tilespmem:s10+$0x0];
	[tilespmem:s4+$0x20] =	vst v2  }
0x44: {  	v2 =	vld [tilespmem:s10+$0x10];
	[tilespmem:s4+$0xFFFFFFC0] =	vst v4  }
0x45: {  	v4 =	vld [tilespmem:s10+$0x20]  }
0x46: {  	v7 =	vld [tilespmem:s10+$0xFFFFFFC0]  }
0x47: {  	v6 =	vld.idx.msk [tilespmem:v6+s3+$0x0], $0xffff  }
0x48: {  	v8 =	vld.idx.msk [tilespmem:v5+s3+$0x0], $0xffff  }
0x49: {  	v5 =	vld.idx.msk [tilespmem:v3+s3+$0x0], $0xffff  }
.Ltmp0:
0x4a: {  	v3 =	vld.idx.msk [tilespmem:v0+s3+$0x0], $0xffff;
	(pc) =	sbr.rel @p2 .LBB2_3-.Ltmp0, $4  }
0x4b: {  	v0 =	vld.idx.msk [tilespmem:v1+s3+$0x0], $0xffff  }
0x4c: {  	s4 =	sadd.s32 $0x80, s4;
	v1 =	vld.idx.msk [tilespmem:v2+s3+$0x0], $0xffff  }
0x4d: {  	v2 =	vld.idx.msk [tilespmem:v4+s3+$0x0], $0xffff;
	[tilespmem:s4+$0x30] =	vst v6  }
0x4e: {  	s10 =	sadd.s32 $0x80, s10;
	v4 =	vld.idx.msk [tilespmem:v7+s3+$0x0], $0xffff;
	[tilespmem:s4+$0xFFFFFFD0] =	vst v8  }
0x4f: {  	[tilespmem:s4+$0xFFFFFFE0] =	vst v5  }
0x50: {  	[tilespmem:s4+$0xFFFFFFF0] =	vst v3  }
0x51: {  	s8 =	sshll.u32 s29, $0x12;
	s10 =	sor.u32 $0x4, s31;
	[tilespmem:s4+$0x0] =	vst v0  }
0x52: {  	s31 =	sshll.u32 s29, $0xC;
	s29 =	sadd.s32 $0x1, s29;
	s8 =	sor.u32 s5, s8;
	[tilespmem:s4+$0x10] =	vst v1  }
0x53: {  	p2 =	sne.s32 s29, $0x30;
	s8 =	sshrl.u32 s8, $0x3;
	[tilespmem:s4+$0x20] =	vst v2  }
.Ltmp1:
0x54: {  	s8 =	sadd.s32 s1, s8;
	[tilespmem:s4+$0xFFFFFFC0] =	vst v4;
	s4 =	sand.u32 $0x3FFFF000, s31;
	(pc) =	sbr.rel @p2 .LBB2_2-.Ltmp1, $4  }
0x55: {  	[hbm4b:s8+s16] =	stream.strided.scatter [tilespmem:s6], [sflag:s10], $0x1000, s17, s16, $0x38;
	[tilespmem:$0x1F900] =	vst v63  }
0x56: {  	s4 =	sadd.s32 s4, s2  }
0x57: {  	p1 =	por !p1, !p1;
	s4 =	sadd.s32 $0x2000, s4  }
0x58: {  	[tilespmem:s0], [sflag:s30] =	stream.linear.gather [spmem:s4], $0x1000, $0x38;
	[tilespmem:$0x1F900] =	vst v63  }
0x59: {  	_ =	swait.ge [sflag:s21], $0x1000  }
0x5a: {  	[sflag:s21] =	ssyncset.done $0x0  }
0x5b: {  	[sflag:s21] =	ssyncadd.s32 $0xFFFFF000  }
0x5c: {  	_ =	swait.ge [sflag:s22], $0x1000  }
0x5d: {  	[sflag:s22] =	ssyncset.done $0x0  }
0x5e: {  	s0 =	simm.s32 $0x18740;
	[sflag:s22] =	ssyncadd.s32 $0xFFFFF000  }
0x5f: {  	v0 =	vld [tilespmem:s0+$0x30]  }
0x60: {  	v1 =	vld [tilespmem:s0+$0xFFFFFFD0]  }
0x61: {  	v2 =	vld [tilespmem:s0+$0xFFFFFFE0]  }
0x62: {  	v3 =	vld [tilespmem:s0+$0xFFFFFFF0]  }
0x63: {  	v4 =	vld [tilespmem:s0+$0x0]  }
0x64: {  	v6 =	vld [tilespmem:s0+$0x10]  }
0x65: {  	v7 =	vld [tilespmem:s0+$0x20]  }
0x66: {  	v8 =	vld [tilespmem:s0+$0xFFFFFFC0]  }
0x67: {  	v9 =	vld.idx.msk [tilespmem:v0+s3+$0x0], $0xffff  }
0x68: {  	v10 =	vld.idx.msk [tilespmem:v1+s3+$0x0], $0xffff  }
0x69: {  	v5 =	vld.idx.msk [tilespmem:v2+s3+$0x0], $0xffff  }
0x6a: {  	v3 =	vld.idx.msk [tilespmem:v3+s3+$0x0], $0xffff  }
0x6b: {  	v0 =	vld.idx.msk [tilespmem:v4+s3+$0x0], $0xffff  }
0x6c: {  	s0 =	simm.s32 $0x1A740;
	v1 =	vld.idx.msk [tilespmem:v6+s3+$0x0], $0xffff  }
0x6d: {  	v2 =	vld.idx.msk [tilespmem:v7+s3+$0x0], $0xffff;
	[tilespmem:s0+$0x30] =	vst v9  }
0x6e: {  	s4 =	simm.s32 $0x0;
	s6 =	simm.s32 $0x187C0;
	v4 =	vld.idx.msk [tilespmem:v8+s3+$0x0], $0xffff;
	[tilespmem:s0+$0xFFFFFFD0] =	vst v10  }
.LBB2_6:
0x6f: {  	v6 =	vld [tilespmem:s6+$0x30];
	s4 =	sadd.s32 $0x8, s4;
	[tilespmem:s0+$0xFFFFFFE0] =	vst v5  }
0x70: {  	v5 =	vld [tilespmem:s6+$0xFFFFFFD0];
	p1 =	slt.u32 s4, $0xF8;
	[tilespmem:s0+$0xFFFFFFF0] =	vst v3  }
0x71: {  	v3 =	vld [tilespmem:s6+$0xFFFFFFE0];
	[tilespmem:s0+$0x0] =	vst v0  }
0x72: {  	v0 =	vld [tilespmem:s6+$0xFFFFFFF0];
	[tilespmem:s0+$0x10] =	vst v1  }
0x73: {  	v1 =	vld [tilespmem:s6+$0x0];
	[tilespmem:s0+$0x20] =	vst v2  }
0x74: {  	v2 =	vld [tilespmem:s6+$0x10];
	[tilespmem:s0+$0xFFFFFFC0] =	vst v4  }
0x75: {  	v4 =	vld [tilespmem:s6+$0x20]  }
0x76: {  	v7 =	vld [tilespmem:s6+$0xFFFFFFC0]  }
0x77: {  	v6 =	vld.idx.msk [tilespmem:v6+s3+$0x0], $0xffff  }
0x78: {  	v8 =	vld.idx.msk [tilespmem:v5+s3+$0x0], $0xffff  }
0x79: {  	v5 =	vld.idx.msk [tilespmem:v3+s3+$0x0], $0xffff  }
.Ltmp2:
0x7a: {  	v3 =	vld.idx.msk [tilespmem:v0+s3+$0x0], $0xffff;
	(pc) =	sbr.rel @p1 .LBB2_6-.Ltmp2, $4  }
0x7b: {  	v0 =	vld.idx.msk [tilespmem:v1+s3+$0x0], $0xffff  }
0x7c: {  	s0 =	sadd.s32 $0x80, s0;
	v1 =	vld.idx.msk [tilespmem:v2+s3+$0x0], $0xffff  }
0x7d: {  	v2 =	vld.idx.msk [tilespmem:v4+s3+$0x0], $0xffff;
	[tilespmem:s0+$0x30] =	vst v6  }
0x7e: {  	s6 =	sadd.s32 $0x80, s6;
	v4 =	vld.idx.msk [tilespmem:v7+s3+$0x0], $0xffff;
	[tilespmem:s0+$0xFFFFFFD0] =	vst v8  }
0x7f: {  	[tilespmem:s0+$0xFFFFFFE0] =	vst v5  }
0x80: {  	[tilespmem:s0+$0xFFFFFFF0] =	vst v3  }
0x81: {  	[tilespmem:s0+$0x0] =	vst v0  }
0x82: {  	[tilespmem:s0+$0x10] =	vst v1  }
0x83: {  	[tilespmem:s0+$0x20] =	vst v2  }
0x84: {  	[tilespmem:s0+$0xFFFFFFC0] =	vst v4  }
0x85: {  	s0 =	rddreg [dreg:$0x7]  }
0x86: {  	[hbm4b:s0+s16] =	stream.strided.scatter [tilespmem:s23], [sflag:$0x4], $0x1000, s17, s16, $0x38;
	[tilespmem:$0x1F900] =	vst v63  }
0x87: {  	_ =	swait.ge [sflag:s24], $0x1000  }
0x88: {  	[sflag:s24] =	ssyncset.done $0x0  }
0x89: {  	[sflag:s24] =	ssyncadd.s32 $0xFFFFF000  }
0x8a: {  	_ =	swait.ge [sflag:s25], $0x1000  }
0x8b: {  	[sflag:s25] =	ssyncset.done $0x0  }
0x8c: {  	s31 =	simm.s32 $0x19770;
	[sflag:s25] =	ssyncadd.s32 $0xFFFFF000  }
0x8d: {  	v0 =	vld [tilespmem:s31+$0x0]  }
0x8e: {  	v1 =	vld [tilespmem:s31+$0xFFFFFFA0]  }
0x8f: {  	v2 =	vld [tilespmem:s31+$0xFFFFFFB0]  }
0x90: {  	v3 =	vld [tilespmem:s31+$0xFFFFFFC0]  }
0x91: {  	v4 =	vld [tilespmem:s31+$0xFFFFFFD0]  }
0x92: {  	v6 =	vld [tilespmem:s31+$0xFFFFFFE0]  }
0x93: {  	v7 =	vld [tilespmem:s31+$0xFFFFFFF0]  }
0x94: {  	v8 =	vld [tilespmem:s31+$0xFFFFFF90]  }
0x95: {  	v9 =	vld.idx.msk [tilespmem:v0+s3+$0x0], $0xffff  }
0x96: {  	v10 =	vld.idx.msk [tilespmem:v1+s3+$0x0], $0xffff  }
0x97: {  	v5 =	vld.idx.msk [tilespmem:v2+s3+$0x0], $0xffff  }
0x98: {  	v3 =	vld.idx.msk [tilespmem:v3+s3+$0x0], $0xffff  }
0x99: {  	v0 =	vld.idx.msk [tilespmem:v4+s3+$0x0], $0xffff  }
0x9a: {  	s0 =	simm.s32 $0x1B770;
	v1 =	vld.idx.msk [tilespmem:v6+s3+$0x0], $0xffff  }
0x9b: {  	v2 =	vld.idx.msk [tilespmem:v7+s3+$0x0], $0xffff;
	[tilespmem:s0+$0x0] =	vst v9  }
0x9c: {  	s4 =	simm.s32 $0x0;
	s6 =	simm.s32 $0x197F0;
	v4 =	vld.idx.msk [tilespmem:v8+s3+$0x0], $0xffff;
	[tilespmem:s0+$0xFFFFFFA0] =	vst v10  }
.LBB2_8:
0x9d: {  	v6 =	vld [tilespmem:s6+$0x0];
	s4 =	sadd.s32 $0x8, s4;
	[tilespmem:s0+$0xFFFFFFB0] =	vst v5  }
0x9e: {  	v5 =	vld [tilespmem:s6+$0xFFFFFFA0];
	p1 =	slt.u32 s4, $0xF8;
	[tilespmem:s0+$0xFFFFFFC0] =	vst v3  }
0x9f: {  	v3 =	vld [tilespmem:s6+$0xFFFFFFB0];
	[tilespmem:s0+$0xFFFFFFD0] =	vst v0  }
0xa0: {  	v0 =	vld [tilespmem:s6+$0xFFFFFFC0];
	[tilespmem:s0+$0xFFFFFFE0] =	vst v1  }
0xa1: {  	v1 =	vld [tilespmem:s6+$0xFFFFFFD0];
	[tilespmem:s0+$0xFFFFFFF0] =	vst v2  }
0xa2: {  	v2 =	vld [tilespmem:s6+$0xFFFFFFE0];
	[tilespmem:s0+$0xFFFFFF90] =	vst v4  }
0xa3: {  	v4 =	vld [tilespmem:s6+$0xFFFFFFF0]  }
0xa4: {  	v7 =	vld [tilespmem:s6+$0xFFFFFF90]  }
0xa5: {  	v6 =	vld.idx.msk [tilespmem:v6+s3+$0x0], $0xffff  }
0xa6: {  	v8 =	vld.idx.msk [tilespmem:v5+s3+$0x0], $0xffff  }
0xa7: {  	v5 =	vld.idx.msk [tilespmem:v3+s3+$0x0], $0xffff  }
.Ltmp3:
0xa8: {  	v3 =	vld.idx.msk [tilespmem:v0+s3+$0x0], $0xffff;
	(pc) =	sbr.rel @p1 .LBB2_8-.Ltmp3, $4  }
0xa9: {  	v0 =	vld.idx.msk [tilespmem:v1+s3+$0x0], $0xffff  }
0xaa: {  	s0 =	sadd.s32 $0x80, s0;
	v1 =	vld.idx.msk [tilespmem:v2+s3+$0x0], $0xffff  }
0xab: {  	v2 =	vld.idx.msk [tilespmem:v4+s3+$0x0], $0xffff;
	[tilespmem:s0+$0x0] =	vst v6  }
0xac: {  	s6 =	sadd.s32 $0x80, s6;
	v4 =	vld.idx.msk [tilespmem:v7+s3+$0x0], $0xffff;
	[tilespmem:s0+$0xFFFFFFA0] =	vst v8  }
0xad: {  	[tilespmem:s0+$0xFFFFFFB0] =	vst v5  }
0xae: {  	[tilespmem:s0+$0xFFFFFFC0] =	vst v3  }
0xaf: {  	[tilespmem:s0+$0xFFFFFFD0] =	vst v0  }
0xb0: {  	[tilespmem:s0+$0xFFFFFFE0] =	vst v1  }
0xb1: {  	[tilespmem:s0+$0xFFFFFFF0] =	vst v2  }
0xb2: {  	[tilespmem:s0+$0xFFFFFF90] =	vst v4  }
0xb3: {  	s0 =	rddreg [dreg:$0x8]  }
0xb4: {  	[hbm4b:s0+s16] =	stream.strided.scatter [tilespmem:s26], [sflag:$0x5], $0x1000, s17, s16, $0x38;
	[tilespmem:$0x1F900] =	vst v63  }
0xb5: {  	_ =	swait.ge [sflag:s22], $0x1000  }
0xb6: {  	[sflag:s22] =	ssyncset.done $0x0  }
0xb7: {  	[sflag:s22] =	ssyncadd.s32 $0xFFFFF000  }
0xb8: {  	_ =	swait.ge [sflag:s25], $0x1000  }
0xb9: {  	[sflag:s25] =	ssyncset.done $0x0  }
0xba: {  	s29 =	simm.s32 $0x0;
	[sflag:s25] =	ssyncadd.s32 $0xFFFFF000  }
0xbb: {  	[tilespmem:s29], [sflag:$0x1] =	stream.strided.gather [hbm4b:s11+s16], $0x18700, s17, s16, $0x38;
	[tilespmem:$0x1F900] =	vst v63  }
0xbc: {  	_ = 	snop  }
0xbd: {  	[tilespmem:s18], [sflag:$0x2] =	stream.linear.gather [spmem:s2], $0x1000, $0x38;
	[tilespmem:$0x1F900] =	vst v63  }
0xbe: {  	_ = 	snop  }
0xbf: {  	[tilespmem:s19], [sflag:$0x3] =	stream.linear.gather [spmem:s7], $0x1000, $0x38;
	[tilespmem:$0x1F900] =	vst v63  }
0xc0: {  	_ =	swait.ge [sflag:s20], $0x18700  }
0xc1: {  	[sflag:s20] =	ssyncset.done $0x0  }
0xc2: {  	p1 =	por $0x0, $0x0;
	[sflag:s20] =	ssyncadd.s32 $0xFFFE7900  }
.LBB2_10:
0xc3: {  	s31 =	sand.u32 $0x1, s29  }
0xc4: {  	s30 =	sor.u32 $0x2, s31  }
0xc5: {  	_ =	swait.ge [sflag:s30], $0x1000  }
0xc6: {  	p2 =	slt.u32 s29, $0x2;
	[sflag:s30] =	ssyncset.done $0x0  }
0xc7: {  	s0 =	simm.s32 $0x1;
	s4 =	sor.u32 @!p2 $0x4, s31;
	[sflag:s30] =	ssyncadd.s32 $0xFFFFF000  }
0xc8: {  	s0 =	simm.s32 @!p1 $0x0;
	_ =	swait.ge @!p2 [sflag:s4], $0x1000  }
0xc9: {  	s0 =	sshll.u32 s0, $0xC;
	[sflag:s4] =	ssyncset.done @!p2 $0x0  }
0xca: {  	s10 =	sor.u32 $0x18740, s0;
	[sflag:s4] =	ssyncadd.s32 @!p2 $0xFFFFF000  }
0xcb: {  	v0 =	vld [tilespmem:s10+$0x30]  }
0xcc: {  	v1 =	vld [tilespmem:s10+$0xFFFFFFD0]  }
0xcd: {  	v2 =	vld [tilespmem:s10+$0xFFFFFFE0]  }
0xce: {  	v3 =	vld [tilespmem:s10+$0xFFFFFFF0]  }
0xcf: {  	v4 =	vld [tilespmem:s10+$0x0]  }
0xd0: {  	v6 =	vld [tilespmem:s10+$0x10]  }
0xd1: {  	v7 =	vld [tilespmem:s10+$0x20]  }
0xd2: {  	v8 =	vld [tilespmem:s10+$0xFFFFFFC0]  }
0xd3: {  	v9 =	vld.idx.msk [tilespmem:v0+s3+$0x0], $0xffff  }
0xd4: {  	v10 =	vld.idx.msk [tilespmem:v1+s3+$0x0], $0xffff  }
0xd5: {  	v5 =	vld.idx.msk [tilespmem:v2+s3+$0x0], $0xffff  }
0xd6: {  	v3 =	vld.idx.msk [tilespmem:v3+s3+$0x0], $0xffff  }
0xd7: {  	v0 =	vld.idx.msk [tilespmem:v4+s3+$0x0], $0xffff  }
0xd8: {  	s4 =	sor.u32 $0x1A740, s0;
	v1 =	vld.idx.msk [tilespmem:v6+s3+$0x0], $0xffff  }
0xd9: {  	s8 =	simm.s32 $0x0;
	s6 =	sshll.u32 s31, $0xC;
	v2 =	vld.idx.msk [tilespmem:v7+s3+$0x0], $0xffff;
	[tilespmem:s4+$0x30] =	vst v9  }
0xda: {  	s0 =	sor.u32 $0x18700, s6;
	s6 =	sadd.s32 $0x1A700, s6;
	s10 =	sadd.s32 $0x80, s10;
	v4 =	vld.idx.msk [tilespmem:v8+s3+$0x0], $0xffff;
	[tilespmem:s4+$0xFFFFFFD0] =	vst v10  }
.LBB2_11:
0xdb: {  	v6 =	vld [tilespmem:s10+$0x30];
	s8 =	sadd.s32 $0x8, s8;
	[tilespmem:s4+$0xFFFFFFE0] =	vst v5  }
0xdc: {  	v5 =	vld [tilespmem:s10+$0xFFFFFFD0];
	p2 =	slt.u32 s8, $0xF8;
	[tilespmem:s4+$0xFFFFFFF0] =	vst v3  }
0xdd: {  	v3 =	vld [tilespmem:s10+$0xFFFFFFE0];
	[tilespmem:s4+$0x0] =	vst v0  }
0xde: {  	v0 =	vld [tilespmem:s10+$0xFFFFFFF0];
	[tilespmem:s4+$0x10] =	vst v1  }
0xdf: {  	v1 =	vld [tilespmem:s10+$0x0];
	[tilespmem:s4+$0x20] =	vst v2  }
0xe0: {  	v2 =	vld [tilespmem:s10+$0x10];
	[tilespmem:s4+$0xFFFFFFC0] =	vst v4  }
0xe1: {  	v4 =	vld [tilespmem:s10+$0x20]  }
0xe2: {  	v7 =	vld [tilespmem:s10+$0xFFFFFFC0]  }
0xe3: {  	v6 =	vld.idx.msk [tilespmem:v6+s3+$0x0], $0xffff  }
0xe4: {  	v8 =	vld.idx.msk [tilespmem:v5+s3+$0x0], $0xffff  }
0xe5: {  	v5 =	vld.idx.msk [tilespmem:v3+s3+$0x0], $0xffff  }
.Ltmp4:
0xe6: {  	v3 =	vld.idx.msk [tilespmem:v0+s3+$0x0], $0xffff;
	(pc) =	sbr.rel @p2 .LBB2_11-.Ltmp4, $4  }
0xe7: {  	v0 =	vld.idx.msk [tilespmem:v1+s3+$0x0], $0xffff  }
0xe8: {  	s4 =	sadd.s32 $0x80, s4;
	v1 =	vld.idx.msk [tilespmem:v2+s3+$0x0], $0xffff  }
0xe9: {  	v2 =	vld.idx.msk [tilespmem:v4+s3+$0x0], $0xffff;
	[tilespmem:s4+$0x30] =	vst v6  }
0xea: {  	s10 =	sadd.s32 $0x80, s10;
	v4 =	vld.idx.msk [tilespmem:v7+s3+$0x0], $0xffff;
	[tilespmem:s4+$0xFFFFFFD0] =	vst v8  }
0xeb: {  	[tilespmem:s4+$0xFFFFFFE0] =	vst v5  }
0xec: {  	[tilespmem:s4+$0xFFFFFFF0] =	vst v3  }
0xed: {  	s8 =	sshll.u32 s29, $0x12;
	s10 =	sor.u32 $0x4, s31;
	[tilespmem:s4+$0x0] =	vst v0  }
0xee: {  	s31 =	sshll.u32 s29, $0xC;
	s29 =	sadd.s32 $0x1, s29;
	s8 =	sor.u32 s9, s8;
	[tilespmem:s4+$0x10] =	vst v1  }
0xef: {  	p2 =	sne.s32 s29, $0x30;
	s8 =	sshrl.u32 s8, $0x3;
	[tilespmem:s4+$0x20] =	vst v2  }
.Ltmp5:
0xf0: {  	s8 =	sadd.s32 s1, s8;
	[tilespmem:s4+$0xFFFFFFC0] =	vst v4;
	s4 =	sand.u32 $0x3FFFF000, s31;
	(pc) =	sbr.rel @p2 .LBB2_10-.Ltmp5, $4  }
0xf1: {  	[hbm4b:s8+s16] =	stream.strided.scatter [tilespmem:s6], [sflag:s10], $0x1000, s17, s16, $0x38;
	[tilespmem:$0x1F900] =	vst v63  }
0xf2: {  	s4 =	sadd.s32 s4, s2  }
0xf3: {  	p1 =	por !p1, !p1;
	s4 =	sadd.s32 $0x2000, s4  }
0xf4: {  	[tilespmem:s0], [sflag:s30] =	stream.linear.gather [spmem:s4], $0x1000, $0x38;
	[tilespmem:$0x1F900] =	vst v63  }
0xf5: {  	_ =	swait.ge [sflag:s21], $0x1000  }
0xf6: {  	[sflag:s21] =	ssyncset.done $0x0  }
0xf7: {  	[sflag:s21] =	ssyncadd.s32 $0xFFFFF000  }
0xf8: {  	_ =	swait.ge [sflag:s22], $0x1000  }
0xf9: {  	[sflag:s22] =	ssyncset.done $0x0  }
0xfa: {  	s0 =	simm.s32 $0x18740;
	[sflag:s22] =	ssyncadd.s32 $0xFFFFF000  }
0xfb: {  	v0 =	vld [tilespmem:s0+$0x30]  }
0xfc: {  	v1 =	vld [tilespmem:s0+$0xFFFFFFD0]  }
0xfd: {  	v2 =	vld [tilespmem:s0+$0xFFFFFFE0]  }
0xfe: {  	v3 =	vld [tilespmem:s0+$0xFFFFFFF0]  }
0xff: {  	v4 =	vld [tilespmem:s0+$0x0]  }
0x100: {  	v6 =	vld [tilespmem:s0+$0x10]  }
0x101: {  	v7 =	vld [tilespmem:s0+$0x20]  }
0x102: {  	v8 =	vld [tilespmem:s0+$0xFFFFFFC0]  }
0x103: {  	v9 =	vld.idx.msk [tilespmem:v0+s3+$0x0], $0xffff  }
0x104: {  	v10 =	vld.idx.msk [tilespmem:v1+s3+$0x0], $0xffff  }
0x105: {  	v5 =	vld.idx.msk [tilespmem:v2+s3+$0x0], $0xffff  }
0x106: {  	v3 =	vld.idx.msk [tilespmem:v3+s3+$0x0], $0xffff  }
0x107: {  	v0 =	vld.idx.msk [tilespmem:v4+s3+$0x0], $0xffff  }
0x108: {  	s0 =	simm.s32 $0x1A740;
	v1 =	vld.idx.msk [tilespmem:v6+s3+$0x0], $0xffff  }
0x109: {  	v2 =	vld.idx.msk [tilespmem:v7+s3+$0x0], $0xffff;
	[tilespmem:s0+$0x30] =	vst v9  }
0x10a: {  	s4 =	simm.s32 $0x0;
	s6 =	simm.s32 $0x187C0;
	v4 =	vld.idx.msk [tilespmem:v8+s3+$0x0], $0xffff;
	[tilespmem:s0+$0xFFFFFFD0] =	vst v10  }
.LBB2_14:
0x10b: {  	v6 =	vld [tilespmem:s6+$0x30];
	s4 =	sadd.s32 $0x8, s4;
	[tilespmem:s0+$0xFFFFFFE0] =	vst v5  }
0x10c: {  	v5 =	vld [tilespmem:s6+$0xFFFFFFD0];
	p1 =	slt.u32 s4, $0xF8;
	[tilespmem:s0+$0xFFFFFFF0] =	vst v3  }
0x10d: {  	v3 =	vld [tilespmem:s6+$0xFFFFFFE0];
	[tilespmem:s0+$0x0] =	vst v0  }
0x10e: {  	v0 =	vld [tilespmem:s6+$0xFFFFFFF0];
	[tilespmem:s0+$0x10] =	vst v1  }
0x10f: {  	v1 =	vld [tilespmem:s6+$0x0];
	[tilespmem:s0+$0x20] =	vst v2  }
0x110: {  	v2 =	vld [tilespmem:s6+$0x10];
	[tilespmem:s0+$0xFFFFFFC0] =	vst v4  }
0x111: {  	v4 =	vld [tilespmem:s6+$0x20]  }
0x112: {  	v7 =	vld [tilespmem:s6+$0xFFFFFFC0]  }
0x113: {  	v6 =	vld.idx.msk [tilespmem:v6+s3+$0x0], $0xffff  }
0x114: {  	v8 =	vld.idx.msk [tilespmem:v5+s3+$0x0], $0xffff  }
0x115: {  	v5 =	vld.idx.msk [tilespmem:v3+s3+$0x0], $0xffff  }
.Ltmp6:
0x116: {  	v3 =	vld.idx.msk [tilespmem:v0+s3+$0x0], $0xffff;
	(pc) =	sbr.rel @p1 .LBB2_14-.Ltmp6, $4  }
0x117: {  	v0 =	vld.idx.msk [tilespmem:v1+s3+$0x0], $0xffff  }
0x118: {  	s0 =	sadd.s32 $0x80, s0;
	v1 =	vld.idx.msk [tilespmem:v2+s3+$0x0], $0xffff  }
0x119: {  	v2 =	vld.idx.msk [tilespmem:v4+s3+$0x0], $0xffff;
	[tilespmem:s0+$0x30] =	vst v6  }
0x11a: {  	s6 =	sadd.s32 $0x80, s6;
	v4 =	vld.idx.msk [tilespmem:v7+s3+$0x0], $0xffff;
	[tilespmem:s0+$0xFFFFFFD0] =	vst v8  }
0x11b: {  	[tilespmem:s0+$0xFFFFFFE0] =	vst v5  }
0x11c: {  	[tilespmem:s0+$0xFFFFFFF0] =	vst v3  }
0x11d: {  	[tilespmem:s0+$0x0] =	vst v0  }
0x11e: {  	[tilespmem:s0+$0x10] =	vst v1  }
0x11f: {  	[tilespmem:s0+$0x20] =	vst v2  }
0x120: {  	[tilespmem:s0+$0xFFFFFFC0] =	vst v4  }
0x121: {  	[hbm4b:s12+s16] =	stream.strided.scatter [tilespmem:s23], [sflag:$0x4], $0x1000, s17, s16, $0x38;
	[tilespmem:$0x1F900] =	vst v63  }
0x122: {  	_ =	swait.ge [sflag:s24], $0x1000  }
0x123: {  	[sflag:s24] =	ssyncset.done $0x0  }
0x124: {  	[sflag:s24] =	ssyncadd.s32 $0xFFFFF000  }
0x125: {  	_ =	swait.ge [sflag:s25], $0x1000  }
0x126: {  	[sflag:s25] =	ssyncset.done $0x0  }
0x127: {  	s31 =	simm.s32 $0x19770;
	[sflag:s25] =	ssyncadd.s32 $0xFFFFF000  }
0x128: {  	v0 =	vld [tilespmem:s31+$0x0]  }
0x129: {  	v1 =	vld [tilespmem:s31+$0xFFFFFFA0]  }
0x12a: {  	v2 =	vld [tilespmem:s31+$0xFFFFFFB0]  }
0x12b: {  	v3 =	vld [tilespmem:s31+$0xFFFFFFC0]  }
0x12c: {  	v4 =	vld [tilespmem:s31+$0xFFFFFFD0]  }
0x12d: {  	v6 =	vld [tilespmem:s31+$0xFFFFFFE0]  }
0x12e: {  	v7 =	vld [tilespmem:s31+$0xFFFFFFF0]  }
0x12f: {  	v8 =	vld [tilespmem:s31+$0xFFFFFF90]  }
0x130: {  	v9 =	vld.idx.msk [tilespmem:v0+s3+$0x0], $0xffff  }
0x131: {  	v10 =	vld.idx.msk [tilespmem:v1+s3+$0x0], $0xffff  }
0x132: {  	v5 =	vld.idx.msk [tilespmem:v2+s3+$0x0], $0xffff  }
0x133: {  	v3 =	vld.idx.msk [tilespmem:v3+s3+$0x0], $0xffff  }
0x134: {  	v0 =	vld.idx.msk [tilespmem:v4+s3+$0x0], $0xffff  }
0x135: {  	s0 =	simm.s32 $0x1B770;
	v1 =	vld.idx.msk [tilespmem:v6+s3+$0x0], $0xffff  }
0x136: {  	v2 =	vld.idx.msk [tilespmem:v7+s3+$0x0], $0xffff;
	[tilespmem:s0+$0x0] =	vst v9  }
0x137: {  	s4 =	simm.s32 $0x0;
	s6 =	simm.s32 $0x197F0;
	v4 =	vld.idx.msk [tilespmem:v8+s3+$0x0], $0xffff;
	[tilespmem:s0+$0xFFFFFFA0] =	vst v10  }
.LBB2_16:
0x138: {  	v6 =	vld [tilespmem:s6+$0x0];
	s4 =	sadd.s32 $0x8, s4;
	[tilespmem:s0+$0xFFFFFFB0] =	vst v5  }
0x139: {  	v5 =	vld [tilespmem:s6+$0xFFFFFFA0];
	p1 =	slt.u32 s4, $0xF8;
	[tilespmem:s0+$0xFFFFFFC0] =	vst v3  }
0x13a: {  	v3 =	vld [tilespmem:s6+$0xFFFFFFB0];
	[tilespmem:s0+$0xFFFFFFD0] =	vst v0  }
0x13b: {  	v0 =	vld [tilespmem:s6+$0xFFFFFFC0];
	[tilespmem:s0+$0xFFFFFFE0] =	vst v1  }
0x13c: {  	v1 =	vld [tilespmem:s6+$0xFFFFFFD0];
	[tilespmem:s0+$0xFFFFFFF0] =	vst v2  }
0x13d: {  	v2 =	vld [tilespmem:s6+$0xFFFFFFE0];
	[tilespmem:s0+$0xFFFFFF90] =	vst v4  }
0x13e: {  	v4 =	vld [tilespmem:s6+$0xFFFFFFF0]  }
0x13f: {  	v7 =	vld [tilespmem:s6+$0xFFFFFF90]  }
0x140: {  	v6 =	vld.idx.msk [tilespmem:v6+s3+$0x0], $0xffff  }
0x141: {  	v8 =	vld.idx.msk [tilespmem:v5+s3+$0x0], $0xffff  }
0x142: {  	v5 =	vld.idx.msk [tilespmem:v3+s3+$0x0], $0xffff  }
.Ltmp7:
0x143: {  	v3 =	vld.idx.msk [tilespmem:v0+s3+$0x0], $0xffff;
	(pc) =	sbr.rel @p1 .LBB2_16-.Ltmp7, $4  }
0x144: {  	v0 =	vld.idx.msk [tilespmem:v1+s3+$0x0], $0xffff  }
0x145: {  	s0 =	sadd.s32 $0x80, s0;
	v1 =	vld.idx.msk [tilespmem:v2+s3+$0x0], $0xffff  }
0x146: {  	v2 =	vld.idx.msk [tilespmem:v4+s3+$0x0], $0xffff;
	[tilespmem:s0+$0x0] =	vst v6  }
0x147: {  	s6 =	sadd.s32 $0x80, s6;
	v4 =	vld.idx.msk [tilespmem:v7+s3+$0x0], $0xffff;
	[tilespmem:s0+$0xFFFFFFA0] =	vst v8  }
0x148: {  	[tilespmem:s0+$0xFFFFFFB0] =	vst v5  }
0x149: {  	[tilespmem:s0+$0xFFFFFFC0] =	vst v3  }
0x14a: {  	[tilespmem:s0+$0xFFFFFFD0] =	vst v0  }
0x14b: {  	[tilespmem:s0+$0xFFFFFFE0] =	vst v1  }
0x14c: {  	[tilespmem:s0+$0xFFFFFFF0] =	vst v2  }
0x14d: {  	s28 =	sadd.s32 $0x1, s28;
	[tilespmem:s0+$0xFFFFFF90] =	vst v4  }
0x14e: {  	[hbm4b:s13+s16] =	stream.strided.scatter [tilespmem:s26], [sflag:$0x5], $0x1000, s17, s16, $0x38;
	[tilespmem:$0x1F900] =	vst v63  }
0x14f: {  	p1 =	sne.s32 s28, s14;
	_ =	swait.ge [sflag:s22], $0x1000  }
.Ltmp8:
0x150: {  	[sflag:s22] =	ssyncset.done $0x0;
	(pc) =	sbr.rel @p1 .LBB2_1-.Ltmp8, $4  }
0x151: {  	[sflag:s22] =	ssyncadd.s32 $0xFFFFF000  }
0x152: {  	_ =	swait.ge [sflag:s25], $0x1000  }
0x153: {  	[sflag:s25] =	ssyncset.done $0x0  }
0x154: {  	[sflag:s25] =	ssyncadd.s32 $0xFFFFF000  }
0x155: {  	_ =	sfence.sel $0x180000  }
0x156: {  	[bflag:$0x0] =	sbarrier.arrive $0xFFFF  }
0x157: {  	_ =	strace $0x90000047  }
0x158: {  	[bflag:$0x2] =	sbarrier.arrive $0xFFFF  }
0x159: {  	s0 =	rddreg [dreg:$0x4]  }
0x15a: {  	s0 =	sadd.s32 @!p0 $0x100000, s0  }
0x15b: {  	[sflag:s0] =	ssyncadd.tile.s32 @!p0 $0x1;
	_ =	shalt  }
.Lfunc_end2:
_tile_overlayer_lowered:
.L_overlay_start_2:
0x15c: {  	(tag) =	ssettag $0x2  }
0x15d: {  	s0 =	rddreg [dreg:$0x0];
	s2 =	stileid.u32  }
0x15e: {  	s1 =	rddreg [dreg:$0x1];
	p0 =	sne.s32 s2, $0x0  }
0x15f: {  	s3 =	rddreg [dreg:$0x2];
	[bflag:$0x3] =	sbarrier.arrive $0xFFFF;
	s2 =	simm.s32 @!p0 $0x1C06  }
0x160: {  	[timem:s3], [sflag:s2] =	dma.local @!p0 [hbm:s0], s1  }
0x161: {  	s0 =	simm.s32 @!p0 $0x6  }
0x162: {  	_ =	swait.ge @!p0 [sflag:s0], s1  }
0x163: {  	s1 =	ssub.s32 @!p0 $0x0, s1;
	[sflag:s0] =	ssyncset.done @!p0 $0x0  }
0x164: {  	[sflag:s0] =	ssyncadd.s32 @!p0 s1  }
0x165: {  	[bflag:$0x3] =	sbarrier.arrive $0xFFFF  }
0x166: {  	_ =	shalt  }

</sc_bundles>
